<compile_context>
chip_gen: v7x
topology: tpu7x:2x2x1
jax: 0.10.2.dev20260603
libtpu: 0.0.44.dev20260713+nightly
codegen_flags: <defaults>
</compile_context>

<pallas_src>
import functools

import jax
import jax.numpy as jnp
from jax import lax
from jax.experimental import pallas as pl
from jax.experimental.pallas import tpu as pltpu
from jax.experimental.pallas import tpu_sc as plsc

N = 10000
E = 320000
D = 128
G = 64

NC = 2
NS = 16
NW = NC * NS

NPAD = 10240
NSLC = NPAD // NS
EPW = E // NW
EPT = E // NS
KE = 80
ROWS_PT = NPAD // NS

_mesh = plsc.VectorSubcoreMesh(core_axis_name="c", subcore_axis_name="s")
_sc_params = pltpu.CompilerParams(needs_layout_passes=False)


def _rsqrt16(d):
    i = lax.bitcast_convert_type(d, jnp.int32)
    i = jnp.int32(0x5F3759DF) - lax.shift_right_logical(i, 1)
    y = lax.bitcast_convert_type(i, jnp.float32)
    half = d * 0.5
    for _ in range(4):
        y = y * (1.5 - half * y * y)
    return y


def _sc_prep_body(row_hbm, col_hbm, ew_hbm, norm_hbm, selfw_hbm,
                  row_v, col_v, ew_v, slc_v, slc2_v, dinv_v, nbuf_v,
                  deg_sh, dinv_sh, sem):
    cid = lax.axis_index("c")
    sid = lax.axis_index("s")
    wid = sid * NC + cid

    def _fill_one(i, _):
        slc_v[pl.ds(i * 16, 16)] = jnp.full((16,), 1.0, jnp.float32)
        return 0
    lax.fori_loop(0, NSLC // 16, _fill_one, 0, unroll=8)
    pltpu.sync_copy(slc_v, deg_sh.at[pl.ds(sid * NSLC, NSLC)])
    plsc.subcore_barrier()

    def _deg_chunk(ci, _):
        base = pl.multiple_of(sid * EPT + ci * KE, 8)
        pltpu.sync_copy(col_hbm.at[pl.ds(base, KE)], col_v)
        pltpu.sync_copy(ew_hbm.at[pl.ds(base, KE)], ew_v)
        pltpu.sync_copy(ew_v, deg_sh.at[col_v], add=True)
        return 0
    lax.fori_loop(0, EPT // KE, _deg_chunk, 0)
    plsc.subcore_barrier()

    pltpu.sync_copy(deg_sh.at[pl.ds(sid * NSLC, NSLC)], slc_v)
    def _rsq(i, _):
        d = slc_v[pl.ds(i * 16, 16)]
        y = _rsqrt16(d)
        slc_v[pl.ds(i * 16, 16)] = y
        slc2_v[pl.ds(i * 16, 16)] = y * y
        return 0
    lax.fori_loop(0, NSLC // 16, _rsq, 0, unroll=4)
    pltpu.sync_copy(slc_v, dinv_sh.at[pl.ds(sid * NSLC, NSLC)])

    @pl.when(cid == 0)
    def _():
        pltpu.sync_copy(slc2_v, selfw_hbm.at[pl.ds(sid * NSLC, NSLC)])

    plsc.subcore_barrier()
    pltpu.sync_copy(dinv_sh, dinv_v)

    def _norm_chunk(ci, _):
        base = pl.multiple_of(wid * EPW + ci * KE, 8)
        pltpu.sync_copy(col_hbm.at[pl.ds(base, KE)], col_v)
        pltpu.sync_copy(row_hbm.at[pl.ds(base, KE)], row_v)
        pltpu.sync_copy(ew_hbm.at[pl.ds(base, KE)], ew_v)
        def _inner(i, _):
            r16 = row_v[pl.ds(i * 16, 16)]
            c16 = col_v[pl.ds(i * 16, 16)]
            w16 = ew_v[pl.ds(i * 16, 16)]
            dr = plsc.load_gather(dinv_v, [r16])
            dc = plsc.load_gather(dinv_v, [c16])
            nbuf_v[pl.ds(i * 16, 16)] = dr * w16 * dc
            return 0
        lax.fori_loop(0, KE // 16, _inner, 0, unroll=5)
        pltpu.sync_copy(nbuf_v, norm_hbm.at[pl.ds(base, KE)])
        return 0
    lax.fori_loop(0, EPW // KE, _norm_chunk, 0)


@jax.jit
def _sc_prep(row, col, ew):
    return pl.kernel(
        _sc_prep_body,
        out_type=(
            jax.ShapeDtypeStruct((E,), jnp.float32),
            jax.ShapeDtypeStruct((NPAD,), jnp.float32),
        ),
        mesh=_mesh,
        scratch_types=[
            pltpu.VMEM((KE,), jnp.int32),
            pltpu.VMEM((KE,), jnp.int32),
            pltpu.VMEM((KE,), jnp.float32),
            pltpu.VMEM((NSLC,), jnp.float32),
            pltpu.VMEM((NSLC,), jnp.float32),
            pltpu.VMEM((NPAD,), jnp.float32),
            pltpu.VMEM((KE,), jnp.float32),
            pltpu.VMEM_SHARED((NPAD,), jnp.float32),
            pltpu.VMEM_SHARED((NPAD,), jnp.float32),
            pltpu.SemaphoreType.DMA,
        ],
        compiler_params=_sc_params,
    )(row, col, ew)


def _sc_mp_body(xw_hbm, row_hbm, col_hbm, norm_hbm, parts_hbm,
                row_v, col_v, nv_v, gbuf_v, acc_sh, sem):
    cid = lax.axis_index("c")
    sid = lax.axis_index("s")
    wid = sid * NC + cid

    def _z(i, _):
        for j in range(8):
            gbuf_v[i, pl.ds(j * 16, 16)] = jnp.zeros((16,), jnp.float32)
        return 0
    lax.fori_loop(0, KE, _z, 0, unroll=8)
    r0 = sid * ROWS_PT
    for k in range(ROWS_PT // KE):
        pltpu.sync_copy(gbuf_v, acc_sh.at[pl.ds(r0 + k * KE, KE)])
    plsc.subcore_barrier()

    def _chunk(ci, _):
        base = pl.multiple_of(wid * EPW + ci * KE, 8)
        pltpu.sync_copy(row_hbm.at[pl.ds(base, KE)], row_v)
        pltpu.sync_copy(col_hbm.at[pl.ds(base, KE)], col_v)
        pltpu.sync_copy(norm_hbm.at[pl.ds(base, KE)], nv_v)
        pltpu.async_copy(xw_hbm.at[row_v], gbuf_v, sem).wait()

        def _scale(e, _):
            w = plsc.load_gather(nv_v, [jnp.full((16,), e, jnp.int32)])
            g = gbuf_v.at[e]
            for j in range(8):
                g[pl.ds(j * 16, 16)] = g[pl.ds(j * 16, 16)] * w
            return 0
        lax.fori_loop(0, KE, _scale, 0, unroll=4)

        pltpu.sync_copy(gbuf_v, acc_sh.at[col_v], add=True)
        return 0
    lax.fori_loop(0, EPW // KE, _chunk, 0)
    plsc.subcore_barrier()

    pltpu.sync_copy(acc_sh.at[pl.ds(r0, ROWS_PT)],
                    parts_hbm.at[cid, pl.ds(r0, ROWS_PT)])


@jax.jit
def _sc_mp(xw, row, col, norm):
    return pl.kernel(
        _sc_mp_body,
        out_type=jax.ShapeDtypeStruct((NC, NPAD, D), jnp.float32),
        mesh=_mesh,
        scratch_types=[
            pltpu.VMEM((KE,), jnp.int32),
            pltpu.VMEM((KE,), jnp.int32),
            pltpu.VMEM((KE,), jnp.float32),
            pltpu.VMEM((KE, D), jnp.float32),
            pltpu.VMEM_SHARED((NPAD, D), jnp.float32),
            pltpu.SemaphoreType.DMA,
        ],
        compiler_params=_sc_params,
    )(xw, row, col, norm)


RB = 1000
NRB = N // RB


def _mm_first_body(x_ref, w_ref, o_ref):
    o_ref[...] = jnp.dot(x_ref[...], w_ref[...],
                         preferred_element_type=jnp.float32,
                         precision=lax.Precision.HIGHEST)


@jax.jit
def _tc_mm_first(x, W):
    return pl.pallas_call(
        _mm_first_body,
        grid=(NRB,),
        in_specs=[
            pl.BlockSpec((RB, D), lambda i: (i, 0)),
            pl.BlockSpec((D, D), lambda i: (0, 0)),
        ],
        out_specs=pl.BlockSpec((RB, D), lambda i: (i, 0)),
        out_shape=jax.ShapeDtypeStruct((N, D), jnp.float32),
    )(x, W)


def _mm_mid_body(p_ref, xw_ref, sw_ref, b_ref, w_ref, o_ref):
    h = p_ref[0] + p_ref[1] + sw_ref[...] * xw_ref[...] + b_ref[...]
    h = jnp.maximum(h, 0.0)
    o_ref[...] = jnp.dot(h, w_ref[...],
                         preferred_element_type=jnp.float32,
                         precision=lax.Precision.HIGHEST)


@jax.jit
def _tc_mm_mid(parts, xw, sw, b, W):
    return pl.pallas_call(
        _mm_mid_body,
        grid=(NRB,),
        in_specs=[
            pl.BlockSpec((NC, RB, D), lambda i: (0, i, 0)),
            pl.BlockSpec((RB, D), lambda i: (i, 0)),
            pl.BlockSpec((RB, 1), lambda i: (i, 0)),
            pl.BlockSpec((1, D), lambda i: (0, 0)),
            pl.BlockSpec((D, D), lambda i: (0, 0)),
        ],
        out_specs=pl.BlockSpec((RB, D), lambda i: (i, 0)),
        out_shape=jax.ShapeDtypeStruct((N, D), jnp.float32),
    )(parts, xw, sw, b, W)


def _pool_body(p_ref, xw_ref, sw_ref, b_ref, bat_ref, o_ref, acc, cnt):
    i = pl.program_id(0)

    @pl.when(i == 0)
    def _():
        acc[...] = jnp.zeros_like(acc)
        cnt[...] = jnp.zeros_like(cnt)

    h = p_ref[0] + p_ref[1] + sw_ref[...] * xw_ref[...] + b_ref[...]
    gids = lax.broadcasted_iota(jnp.int32, (G, RB), 0)
    onehot = (gids == bat_ref[0]).astype(jnp.float32)
    acc[...] += jnp.dot(onehot, h, preferred_element_type=jnp.float32,
                        precision=lax.Precision.HIGHEST)
    cnt[...] += jnp.broadcast_to(jnp.sum(onehot, axis=1, keepdims=True),
                                 (G, D))

    @pl.when(i == NRB - 1)
    def _():
        o_ref[...] = acc[...] / jnp.maximum(cnt[...], 1.0)


@jax.jit
def _tc_pool(parts, xw, sw, b, batch2d):
    return pl.pallas_call(
        _pool_body,
        grid=(NRB,),
        in_specs=[
            pl.BlockSpec((NC, RB, D), lambda i: (0, i, 0)),
            pl.BlockSpec((RB, D), lambda i: (i, 0)),
            pl.BlockSpec((RB, 1), lambda i: (i, 0)),
            pl.BlockSpec((1, D), lambda i: (0, 0)),
            pl.BlockSpec((1, 1, RB), lambda i: (i, 0, 0)),
        ],
        out_specs=pl.BlockSpec((G, D), lambda i: (0, 0)),
        out_shape=jax.ShapeDtypeStruct((G, D), jnp.float32),
        scratch_shapes=[
            pltpu.VMEM((G, D), jnp.float32),
            pltpu.VMEM((G, D), jnp.float32),
        ],
    )(parts, xw, sw, b, batch2d)


def kernel(x, edge_index, batch, edge_weight, W1, b1, W2, b2, W3, b3):
    ei = edge_index.astype(jnp.int32)
    row = ei[0]
    col = ei[1]
    ew = edge_weight.astype(jnp.float32)

    norm, selfw = _sc_prep(row, col, ew)
    sw = selfw[:N].reshape(N, 1)
    b1r = b1.reshape(1, D)
    b2r = b2.reshape(1, D)
    b3r = b3.reshape(1, D)
    bat2d = batch.astype(jnp.int32).reshape(N // RB, 1, RB)

    xw1 = _tc_mm_first(x, W1)
    p1 = _sc_mp(xw1, row, col, norm)
    xw2 = _tc_mm_mid(p1, xw1, sw, b1r, W2)
    p2 = _sc_mp(xw2, row, col, norm)
    xw3 = _tc_mm_mid(p2, xw2, sw, b2r, W3)
    p3 = _sc_mp(xw3, row, col, norm)
    return _tc_pool(p3, xw3, sw, b3r, bat2d)

# --- scband reference (transcript-rebuilt; emitter-appended) ---
"""Pipeline reference for scband-gnn-4698694221926 (READ-ONLY COPY).

The authoritative reference and input builder live on the scoring server;
editing this copy changes nothing except your own understanding.
"""

import jax, jax.numpy as jnp
import numpy as np

N = 10000
E = 320000
D_IN = 128
D_H = 128
D_OUT = 128
G = 64


def gcn_conv(x, edge_index, edge_weight, W, b):
    n = x.shape[0]
    xw = x @ W
    row = edge_index[0]
    col = edge_index[1]
    # add self-loops with weight 1 (PyG GCNConv default)
    loop = jnp.arange(n, dtype=edge_index.dtype)
    row_f = jnp.concatenate([row, loop])
    col_f = jnp.concatenate([col, loop])
    ew_f = jnp.concatenate([edge_weight, jnp.ones((n,), x.dtype)])
    # symmetric normalization D^{-1/2} A_hat D^{-1/2}
    deg = jax.ops.segment_sum(ew_f, col_f, num_segments=n)
    deg_inv_sqrt = jnp.where(deg > 0, jax.lax.rsqrt(jnp.maximum(deg, 1e-12)), 0.0)
    norm = deg_inv_sqrt[row_f] * ew_f * deg_inv_sqrt[col_f]
    msg = norm[:, None] * xw[row_f]
    out = jax.ops.segment_sum(msg, col_f, num_segments=n)
    return out + b


def global_mean_pool(h, batch, num_graphs):
    s = jax.ops.segment_sum(h, batch, num_segments=num_graphs)
    cnt = jax.ops.segment_sum(jnp.ones((h.shape[0],), h.dtype), batch, num_segments=num_graphs)
    return s / jnp.maximum(cnt, 1.0)[:, None]


def setup_inputs(seed: int = 0) -> dict:
    key = jax.random.key(seed)
    k = jax.random.split(key, 10)
    x = jax.random.normal(k[0], (N, D_IN), dtype=jnp.float32)
    edge_index = jax.random.randint(k[1], (2, E), 0, N, dtype=jnp.int64)
    batch = jnp.sort(jax.random.randint(k[2], (N,), 0, G, dtype=jnp.int64))
    edge_weight = jax.random.uniform(k[3], (E,), dtype=jnp.float32)
    s1 = 1.0 / np.sqrt(D_IN)
    s2 = 1.0 / np.sqrt(D_H)
    W1 = jax.random.normal(k[4], (D_IN, D_H), dtype=jnp.float32) * s1
    b1 = jnp.zeros((D_H,), jnp.float32)
    W2 = jax.random.normal(k[5], (D_H, D_H), dtype=jnp.float32) * s2
    b2 = jnp.zeros((D_H,), jnp.float32)
    W3 = jax.random.normal(k[6], (D_H, D_OUT), dtype=jnp.float32) * s2
    b3 = jnp.zeros((D_OUT,), jnp.float32)
    return {"x": x, "edge_index": edge_index, "batch": batch, "edge_weight": edge_weight,
            "W1": W1, "b1": b1, "W2": W2, "b2": b2, "W3": W3, "b3": b3}


def reference(x, edge_index, batch, edge_weight, W1, b1, W2, b2, W3, b3):
    h = jax.nn.relu(gcn_conv(x, edge_index, edge_weight, W1, b1))
    h = jax.nn.relu(gcn_conv(h, edge_index, edge_weight, W2, b2))
    h = gcn_conv(h, edge_index, edge_weight, W3, b3)
    return global_mean_pool(h, batch, G)

if __name__ == "__main__":
    import jax
    _d = setup_inputs()
    print(jax.jit(kernel)(*tuple(_d.values())))

</pallas_src>

<mosaic_0001>
#map = affine_map<(d0, d1) -> (0)>
module attributes {stable_mosaic.version = 14 : i64} {
  func.func @_sc_prep_body(%arg0: i32, %arg1: i32, %arg2: memref<320000xi32, #tpu.memory_space<hbm>>, %arg3: memref<320000xi32, #tpu.memory_space<hbm>>, %arg4: memref<320000xf32, #tpu.memory_space<hbm>>, %arg5: memref<320000xf32, #tpu.memory_space<hbm>>, %arg6: memref<10240xf32, #tpu.memory_space<hbm>>, %arg7: memref<80xi32, #tpu.memory_space<vmem>>, %arg8: memref<80xi32, #tpu.memory_space<vmem>>, %arg9: memref<80xf32, #tpu.memory_space<vmem>>, %arg10: memref<640xf32, #tpu.memory_space<vmem>>, %arg11: memref<640xf32, #tpu.memory_space<vmem>>, %arg12: memref<10240xf32, #tpu.memory_space<vmem>>, %arg13: memref<80xf32, #tpu.memory_space<vmem>>, %arg14: memref<10240xf32, #tpu.memory_space<vmem_shared>>, %arg15: memref<10240xf32, #tpu.memory_space<vmem_shared>>, %arg16: memref<!tpu.dma_semaphore, #tpu.memory_space<semaphore_mem>>) attributes {dimension_semantics = [#tpu.dimension_semantics<core_parallel>, #tpu.dimension_semantics<subcore_parallel>], iteration_bounds = array<i64: 2, 16>, scalar_prefetch = 0 : i64, scratch_operands = 10 : i64, tpu.core_type = #tpu.core_type<sc_vector_subcore>, window_params = [{transform_indices = #map}, {transform_indices = #map}, {transform_indices = #map}, {transform_indices = #map}, {transform_indices = #map}]} {
    %mul3A = arith.constant 2 : i32
    %mul3A_0 = arith.muli %arg1, %mul3A : i32
    %add3A = arith.addi %mul3A_0, %arg0 : i32
    %scan3A = arith.constant 0 : i32
    %scan3A_1 = arith.constant 0 : i32
    %scan3A_2 = arith.constant 40 : i32
    %scan3A_3 = arith.addi %scan3A_1, %scan3A_2 : i32
    %scan3A_4 = arith.constant 8 : i32
    %scan3A_5 = scf.for %scan3A_38 = %scan3A_1 to %scan3A_3 step %scan3A_4 iter_args(%scan3A_39 = %scan3A) -> (i32)  : i32 {
      %broadcast_in_dim3A = arith.constant 1.000000e+00 : f32
      %broadcast_in_dim3A_40 = vector.broadcast %broadcast_in_dim3A : f32 to vector<16xf32>
      %mul3A_41 = arith.constant 16 : i32
      %mul3A_42 = arith.muli %scan3A_38, %mul3A_41 : i32
      %swap3A = arith.index_cast %mul3A_42 : i32 to index
      %swap3A_43 = tpu.vector_load %arg10[%swap3A] {strides = array<i32>} : memref<640xf32, #tpu.memory_space<vmem>>, vector<16xf32>,
      tpu.vector_store %arg10[%swap3A], %broadcast_in_dim3A_40 {strides = array<i32>} : memref<640xf32, #tpu.memory_space<vmem>>, vector<16xf32>,
      %scan3A_44 = arith.constant 0 : i32
      %scan3A_45 = arith.constant 1 : i32
      %scan3A_46 = arith.addi %scan3A_38, %scan3A_45 : i32
      %broadcast_in_dim3A_47 = arith.constant 1.000000e+00 : f32
      %broadcast_in_dim3A_48 = vector.broadcast %broadcast_in_dim3A_47 : f32 to vector<16xf32>
      %mul3A_49 = arith.constant 16 : i32
      %mul3A_50 = arith.muli %scan3A_46, %mul3A_49 : i32
      %swap3A_51 = arith.index_cast %mul3A_50 : i32 to index
      %swap3A_52 = tpu.vector_load %arg10[%swap3A_51] {strides = array<i32>} : memref<640xf32, #tpu.memory_space<vmem>>, vector<16xf32>,
      tpu.vector_store %arg10[%swap3A_51], %broadcast_in_dim3A_48 {strides = array<i32>} : memref<640xf32, #tpu.memory_space<vmem>>, vector<16xf32>,
      %scan3A_53 = arith.constant 0 : i32
      %scan3A_54 = arith.constant 2 : i32
      %scan3A_55 = arith.addi %scan3A_38, %scan3A_54 : i32
      %broadcast_in_dim3A_56 = arith.constant 1.000000e+00 : f32
      %broadcast_in_dim3A_57 = vector.broadcast %broadcast_in_dim3A_56 : f32 to vector<16xf32>
      %mul3A_58 = arith.constant 16 : i32
      %mul3A_59 = arith.muli %scan3A_55, %mul3A_58 : i32
      %swap3A_60 = arith.index_cast %mul3A_59 : i32 to index
      %swap3A_61 = tpu.vector_load %arg10[%swap3A_60] {strides = array<i32>} : memref<640xf32, #tpu.memory_space<vmem>>, vector<16xf32>,
      tpu.vector_store %arg10[%swap3A_60], %broadcast_in_dim3A_57 {strides = array<i32>} : memref<640xf32, #tpu.memory_space<vmem>>, vector<16xf32>,
      %scan3A_62 = arith.constant 0 : i32
      %scan3A_63 = arith.constant 3 : i32
      %scan3A_64 = arith.addi %scan3A_38, %scan3A_63 : i32
      %broadcast_in_dim3A_65 = arith.constant 1.000000e+00 : f32
      %broadcast_in_dim3A_66 = vector.broadcast %broadcast_in_dim3A_65 : f32 to vector<16xf32>
      %mul3A_67 = arith.constant 16 : i32
      %mul3A_68 = arith.muli %scan3A_64, %mul3A_67 : i32
      %swap3A_69 = arith.index_cast %mul3A_68 : i32 to index
      %swap3A_70 = tpu.vector_load %arg10[%swap3A_69] {strides = array<i32>} : memref<640xf32, #tpu.memory_space<vmem>>, vector<16xf32>,
      tpu.vector_store %arg10[%swap3A_69], %broadcast_in_dim3A_66 {strides = array<i32>} : memref<640xf32, #tpu.memory_space<vmem>>, vector<16xf32>,
      %scan3A_71 = arith.constant 0 : i32
      %scan3A_72 = arith.constant 4 : i32
      %scan3A_73 = arith.addi %scan3A_38, %scan3A_72 : i32
      %broadcast_in_dim3A_74 = arith.constant 1.000000e+00 : f32
      %broadcast_in_dim3A_75 = vector.broadcast %broadcast_in_dim3A_74 : f32 to vector<16xf32>
      %mul3A_76 = arith.constant 16 : i32
      %mul3A_77 = arith.muli %scan3A_73, %mul3A_76 : i32
      %swap3A_78 = arith.index_cast %mul3A_77 : i32 to index
      %swap3A_79 = tpu.vector_load %arg10[%swap3A_78] {strides = array<i32>} : memref<640xf32, #tpu.memory_space<vmem>>, vector<16xf32>,
      tpu.vector_store %arg10[%swap3A_78], %broadcast_in_dim3A_75 {strides = array<i32>} : memref<640xf32, #tpu.memory_space<vmem>>, vector<16xf32>,
      %scan3A_80 = arith.constant 0 : i32
      %scan3A_81 = arith.constant 5 : i32
      %scan3A_82 = arith.addi %scan3A_38, %scan3A_81 : i32
      %broadcast_in_dim3A_83 = arith.constant 1.000000e+00 : f32
      %broadcast_in_dim3A_84 = vector.broadcast %broadcast_in_dim3A_83 : f32 to vector<16xf32>
      %mul3A_85 = arith.constant 16 : i32
      %mul3A_86 = arith.muli %scan3A_82, %mul3A_85 : i32
      %swap3A_87 = arith.index_cast %mul3A_86 : i32 to index
      %swap3A_88 = tpu.vector_load %arg10[%swap3A_87] {strides = array<i32>} : memref<640xf32, #tpu.memory_space<vmem>>, vector<16xf32>,
      tpu.vector_store %arg10[%swap3A_87], %broadcast_in_dim3A_84 {strides = array<i32>} : memref<640xf32, #tpu.memory_space<vmem>>, vector<16xf32>,
      %scan3A_89 = arith.constant 0 : i32
      %scan3A_90 = arith.constant 6 : i32
      %scan3A_91 = arith.addi %scan3A_38, %scan3A_90 : i32
      %broadcast_in_dim3A_92 = arith.constant 1.000000e+00 : f32
      %broadcast_in_dim3A_93 = vector.broadcast %broadcast_in_dim3A_92 : f32 to vector<16xf32>
      %mul3A_94 = arith.constant 16 : i32
      %mul3A_95 = arith.muli %scan3A_91, %mul3A_94 : i32
      %swap3A_96 = arith.index_cast %mul3A_95 : i32 to index
      %swap3A_97 = tpu.vector_load %arg10[%swap3A_96] {strides = array<i32>} : memref<640xf32, #tpu.memory_space<vmem>>, vector<16xf32>,
      tpu.vector_store %arg10[%swap3A_96], %broadcast_in_dim3A_93 {strides = array<i32>} : memref<640xf32, #tpu.memory_space<vmem>>, vector<16xf32>,
      %scan3A_98 = arith.constant 0 : i32
      %scan3A_99 = arith.constant 7 : i32
      %scan3A_100 = arith.addi %scan3A_38, %scan3A_99 : i32
      %broadcast_in_dim3A_101 = arith.constant 1.000000e+00 : f32
      %broadcast_in_dim3A_102 = vector.broadcast %broadcast_in_dim3A_101 : f32 to vector<16xf32>
      %mul3A_103 = arith.constant 16 : i32
      %mul3A_104 = arith.muli %scan3A_100, %mul3A_103 : i32
      %swap3A_105 = arith.index_cast %mul3A_104 : i32 to index
      %swap3A_106 = tpu.vector_load %arg10[%swap3A_105] {strides = array<i32>} : memref<640xf32, #tpu.memory_space<vmem>>, vector<16xf32>,
      tpu.vector_store %arg10[%swap3A_105], %broadcast_in_dim3A_102 {strides = array<i32>} : memref<640xf32, #tpu.memory_space<vmem>>, vector<16xf32>,
      %scan3A_107 = arith.constant 0 : i32
      scf.yield %scan3A_107 : i32
    }
    %scan3A_6 = arith.constant 40 : i32
    %mul3A_7 = arith.constant 640 : i32
    %mul3A_8 = arith.muli %arg1, %mul3A_7 : i32
    "tpu.region"() ({
      %run_scoped3A = tpu.sem_alloc : memref<!tpu.dma_semaphore, #tpu.memory_space<semaphore_mem>>
      %dma_start3A = tpu.memref_slice %arg14[%mul3A_8] : memref<10240xf32, #tpu.memory_space<vmem_shared>> -> memref<640xf32, #tpu.memory_space<vmem_shared>>
      %dma_start3A_38 = tpu.memref_slice %arg14[%mul3A_8] : memref<10240xf32, #tpu.memory_space<vmem_shared>> -> memref<640xf32, #tpu.memory_space<vmem_shared>>
      tpu.enqueue_dma source(%arg10 : memref<640xf32, #tpu.memory_space<vmem>>) target(%dma_start3A_38 : memref<640xf32, #tpu.memory_space<vmem_shared>>) target_semaphore(%run_scoped3A : memref<!tpu.dma_semaphore, #tpu.memory_space<semaphore_mem>>)
      %dma_wait3A = tpu.memref_slice %arg14[%mul3A_8] : memref<10240xf32, #tpu.memory_space<vmem_shared>> -> memref<640xf32, #tpu.memory_space<vmem_shared>>
      %dma_wait3A_39 = tpu.memref_slice %arg14[%mul3A_8] : memref<10240xf32, #tpu.memory_space<vmem_shared>> -> memref<640xf32, #tpu.memory_space<vmem_shared>>
      tpu.wait_dma2 semaphore(%run_scoped3A : memref<!tpu.dma_semaphore, #tpu.memory_space<semaphore_mem>>) src(%arg10 : memref<640xf32, #tpu.memory_space<vmem>>) dst(%dma_wait3A_39 : memref<640xf32, #tpu.memory_space<vmem_shared>>)
      tpu.yield
    }) : () -> ()
    %barrier3A = arith.constant 0 : index
    tpu.barrier barrier_id(%barrier3A)
    %scan3A_9 = arith.constant 0 : i32
    %scan3A_10 = arith.constant 0 : i32
    %scan3A_11 = arith.constant 250 : i32
    %scan3A_12 = arith.addi %scan3A_10, %scan3A_11 : i32
    %scan3A_13 = arith.constant 1 : i32
    %scan3A_14 = scf.for %scan3A_38 = %scan3A_10 to %scan3A_12 step %scan3A_13 iter_args(%scan3A_39 = %scan3A_9) -> (i32)  : i32 {
      %mul3A_40 = arith.constant 20000 : i32
      %mul3A_41 = arith.muli %arg1, %mul3A_40 : i32
      %mul3A_42 = arith.constant 80 : i32
      %mul3A_43 = arith.muli %scan3A_38, %mul3A_42 : i32
      %add3A_44 = arith.addi %mul3A_41, %mul3A_43 : i32
      %multiple_of3A = tpu.assume_multiple %add3A_44, 8 : i32
      "tpu.region"() ({
        %run_scoped3A = tpu.sem_alloc : memref<!tpu.dma_semaphore, #tpu.memory_space<semaphore_mem>>
        %dma_start3A = tpu.memref_slice %arg3[%multiple_of3A] : memref<320000xi32, #tpu.memory_space<hbm>> -> memref<80xi32, #tpu.memory_space<hbm>>
        %dma_start3A_46 = tpu.memref_slice %arg3[%multiple_of3A] : memref<320000xi32, #tpu.memory_space<hbm>> -> memref<80xi32, #tpu.memory_space<hbm>>
        tpu.enqueue_dma source(%dma_start3A_46 : memref<80xi32, #tpu.memory_space<hbm>>) target(%arg8 : memref<80xi32, #tpu.memory_space<vmem>>) target_semaphore(%run_scoped3A : memref<!tpu.dma_semaphore, #tpu.memory_space<semaphore_mem>>)
        %dma_wait3A = tpu.memref_slice %arg3[%multiple_of3A] : memref<320000xi32, #tpu.memory_space<hbm>> -> memref<80xi32, #tpu.memory_space<hbm>>
        %dma_wait3A_47 = tpu.memref_slice %arg3[%multiple_of3A] : memref<320000xi32, #tpu.memory_space<hbm>> -> memref<80xi32, #tpu.memory_space<hbm>>
        tpu.wait_dma2 semaphore(%run_scoped3A : memref<!tpu.dma_semaphore, #tpu.memory_space<semaphore_mem>>) src(%dma_wait3A_47 : memref<80xi32, #tpu.memory_space<hbm>>) dst(%arg8 : memref<80xi32, #tpu.memory_space<vmem>>)
        tpu.yield
      }) : () -> ()
      "tpu.region"() ({
        %run_scoped3A = tpu.sem_alloc : memref<!tpu.dma_semaphore, #tpu.memory_space<semaphore_mem>>
        %dma_start3A = tpu.memref_slice %arg4[%multiple_of3A] : memref<320000xf32, #tpu.memory_space<hbm>> -> memref<80xf32, #tpu.memory_space<hbm>>
        %dma_start3A_46 = tpu.memref_slice %arg4[%multiple_of3A] : memref<320000xf32, #tpu.memory_space<hbm>> -> memref<80xf32, #tpu.memory_space<hbm>>
        tpu.enqueue_dma source(%dma_start3A_46 : memref<80xf32, #tpu.memory_space<hbm>>) target(%arg9 : memref<80xf32, #tpu.memory_space<vmem>>) target_semaphore(%run_scoped3A : memref<!tpu.dma_semaphore, #tpu.memory_space<semaphore_mem>>)
        %dma_wait3A = tpu.memref_slice %arg4[%multiple_of3A] : memref<320000xf32, #tpu.memory_space<hbm>> -> memref<80xf32, #tpu.memory_space<hbm>>
        %dma_wait3A_47 = tpu.memref_slice %arg4[%multiple_of3A] : memref<320000xf32, #tpu.memory_space<hbm>> -> memref<80xf32, #tpu.memory_space<hbm>>
        tpu.wait_dma2 semaphore(%run_scoped3A : memref<!tpu.dma_semaphore, #tpu.memory_space<semaphore_mem>>) src(%dma_wait3A_47 : memref<80xf32, #tpu.memory_space<hbm>>) dst(%arg9 : memref<80xf32, #tpu.memory_space<vmem>>)
        tpu.yield
      }) : () -> ()
      "tpu.region"() ({
        %run_scoped3A = tpu.sem_alloc : memref<!tpu.dma_semaphore, #tpu.memory_space<semaphore_mem>>
        %dma_start3A = arith.constant 0 : i32
        %dma_start3A_46 = tpu.memref_slice %arg14[%dma_start3A] : memref<10240xf32, #tpu.memory_space<vmem_shared>> -> memref<10240xf32, #tpu.memory_space<vmem_shared>>
        tpu.enqueue_indirect_dma source(%arg9 : memref<80xf32, #tpu.memory_space<vmem>>) target(%dma_start3A_46 : memref<10240xf32, #tpu.memory_space<vmem_shared>>) offsets(%arg8 : memref<80xi32, #tpu.memory_space<vmem>>) semaphore(%run_scoped3A : memref<!tpu.dma_semaphore, #tpu.memory_space<semaphore_mem>>) {add = true}
        %dma_wait3A = arith.constant 0 : i32
        %dma_wait3A_47 = tpu.memref_slice %arg14[%dma_wait3A] : memref<10240xf32, #tpu.memory_space<vmem_shared>> -> memref<10240xf32, #tpu.memory_space<vmem_shared>>
        tpu.wait_indirect_dma semaphore(%run_scoped3A : memref<!tpu.dma_semaphore, #tpu.memory_space<semaphore_mem>>) src(%arg9 : memref<80xf32, #tpu.memory_space<vmem>>) dst(%dma_wait3A_47 : memref<10240xf32, #tpu.memory_space<vmem_shared>>)
        tpu.yield
      }) : () -> ()
      %scan3A_45 = arith.constant 0 : i32
      scf.yield %scan3A_45 : i32
    }
    %scan3A_15 = arith.constant 250 : i32
    %barrier3A_16 = arith.constant 0 : index
    tpu.barrier barrier_id(%barrier3A_16)
    %mul3A_17 = arith.constant 640 : i32
    %mul3A_18 = arith.muli %arg1, %mul3A_17 : i32
    "tpu.region"() ({
      %run_scoped3A = tpu.sem_alloc : memref<!tpu.dma_semaphore, #tpu.memory_space<semaphore_mem>>
      %dma_start3A = tpu.memref_slice %arg14[%mul3A_18] : memref<10240xf32, #tpu.memory_space<vmem_shared>> -> memref<640xf32, #tpu.memory_space<vmem_shared>>
      %dma_start3A_38 = tpu.memref_slice %arg14[%mul3A_18] : memref<10240xf32, #tpu.memory_space<vmem_shared>> -> memref<640xf32, #tpu.memory_space<vmem_shared>>
      tpu.enqueue_dma source(%dma_start3A_38 : memref<640xf32, #tpu.memory_space<vmem_shared>>) target(%arg10 : memref<640xf32, #tpu.memory_space<vmem>>) target_semaphore(%run_scoped3A : memref<!tpu.dma_semaphore, #tpu.memory_space<semaphore_mem>>)
      %dma_wait3A = tpu.memref_slice %arg14[%mul3A_18] : memref<10240xf32, #tpu.memory_space<vmem_shared>> -> memref<640xf32, #tpu.memory_space<vmem_shared>>
      %dma_wait3A_39 = tpu.memref_slice %arg14[%mul3A_18] : memref<10240xf32, #tpu.memory_space<vmem_shared>> -> memref<640xf32, #tpu.memory_space<vmem_shared>>
      tpu.wait_dma2 semaphore(%run_scoped3A : memref<!tpu.dma_semaphore, #tpu.memory_space<semaphore_mem>>) src(%dma_wait3A_39 : memref<640xf32, #tpu.memory_space<vmem_shared>>) dst(%arg10 : memref<640xf32, #tpu.memory_space<vmem>>)
      tpu.yield
    }) : () -> ()
    %scan3A_19 = arith.constant 0 : i32
    %scan3A_20 = arith.constant 0 : i32
    %scan3A_21 = arith.constant 40 : i32
    %scan3A_22 = arith.addi %scan3A_20, %scan3A_21 : i32
    %scan3A_23 = arith.constant 4 : i32
    %scan3A_24 = scf.for %scan3A_38 = %scan3A_20 to %scan3A_22 step %scan3A_23 iter_args(%scan3A_39 = %scan3A_19) -> (i32)  : i32 {
      %mul3A_40 = arith.constant 16 : i32
      %mul3A_41 = arith.muli %scan3A_38, %mul3A_40 : i32
      %get3A = arith.index_cast %mul3A_41 : i32 to index
      %get3A_42 = tpu.vector_load %arg10[%get3A] {strides = array<i32>} : memref<640xf32, #tpu.memory_space<vmem>>, vector<16xf32>,
      %bitcast_convert_type3A = tpu.bitcast %get3A_42 : vector<16xf32> -> vector<16xi32>
      %shift_right_logical3A = arith.constant 1 : i32
      %shift_right_logical3A_43 = vector.broadcast %shift_right_logical3A : i32 to vector<16xi32>
      %shift_right_logical3A_44 = arith.shrui %bitcast_convert_type3A, %shift_right_logical3A_43 : vector<16xi32>
      %sub3A = arith.constant 1597463007 : i32
      %sub3A_45 = vector.broadcast %sub3A : i32 to vector<16xi32>
      %sub3A_46 = arith.subi %sub3A_45, %shift_right_logical3A_44 : vector<16xi32>
      %bitcast_convert_type3A_47 = tpu.bitcast %sub3A_46 : vector<16xi32> -> vector<16xf32>
      %mul3A_48 = arith.constant 5.000000e-01 : f32
      %mul3A_49 = vector.broadcast %mul3A_48 : f32 to vector<16xf32>
      %mul3A_50 = arith.mulf %get3A_42, %mul3A_49 : vector<16xf32>
      %mul3A_51 = arith.mulf %mul3A_50, %bitcast_convert_type3A_47 : vector<16xf32>
      %mul3A_52 = arith.mulf %mul3A_51, %bitcast_convert_type3A_47 : vector<16xf32>
      %sub3A_53 = arith.constant 1.500000e+00 : f32
      %sub3A_54 = vector.broadcast %sub3A_53 : f32 to vector<16xf32>
      %sub3A_55 = arith.subf %sub3A_54, %mul3A_52 : vector<16xf32>
      %mul3A_56 = arith.mulf %bitcast_convert_type3A_47, %sub3A_55 : vector<16xf32>
      %mul3A_57 = arith.mulf %mul3A_50, %mul3A_56 : vector<16xf32>
      %mul3A_58 = arith.mulf %mul3A_57, %mul3A_56 : vector<16xf32>
      %sub3A_59 = arith.constant 1.500000e+00 : f32
      %sub3A_60 = vector.broadcast %sub3A_59 : f32 to vector<16xf32>
      %sub3A_61 = arith.subf %sub3A_60, %mul3A_58 : vector<16xf32>
      %mul3A_62 = arith.mulf %mul3A_56, %sub3A_61 : vector<16xf32>
      %mul3A_63 = arith.mulf %mul3A_50, %mul3A_62 : vector<16xf32>
      %mul3A_64 = arith.mulf %mul3A_63, %mul3A_62 : vector<16xf32>
      %sub3A_65 = arith.constant 1.500000e+00 : f32
      %sub3A_66 = vector.broadcast %sub3A_65 : f32 to vector<16xf32>
      %sub3A_67 = arith.subf %sub3A_66, %mul3A_64 : vector<16xf32>
      %mul3A_68 = arith.mulf %mul3A_62, %sub3A_67 : vector<16xf32>
      %mul3A_69 = arith.mulf %mul3A_50, %mul3A_68 : vector<16xf32>
      %mul3A_70 = arith.mulf %mul3A_69, %mul3A_68 : vector<16xf32>
      %sub3A_71 = arith.constant 1.500000e+00 : f32
      %sub3A_72 = vector.broadcast %sub3A_71 : f32 to vector<16xf32>
      %sub3A_73 = arith.subf %sub3A_72, %mul3A_70 : vector<16xf32>
      %mul3A_74 = arith.mulf %mul3A_68, %sub3A_73 : vector<16xf32>
      %mul3A_75 = arith.constant 16 : i32
      %mul3A_76 = arith.muli %scan3A_38, %mul3A_75 : i32
      %swap3A = arith.index_cast %mul3A_76 : i32 to index
      %swap3A_77 = tpu.vector_load %arg10[%swap3A] {strides = array<i32>} : memref<640xf32, #tpu.memory_space<vmem>>, vector<16xf32>,
      tpu.vector_store %arg10[%swap3A], %mul3A_74 {strides = array<i32>} : memref<640xf32, #tpu.memory_space<vmem>>, vector<16xf32>,
      %mul3A_78 = arith.mulf %mul3A_74, %mul3A_74 : vector<16xf32>
      %mul3A_79 = arith.constant 16 : i32
      %mul3A_80 = arith.muli %scan3A_38, %mul3A_79 : i32
      %swap3A_81 = arith.index_cast %mul3A_80 : i32 to index
      %swap3A_82 = tpu.vector_load %arg11[%swap3A_81] {strides = array<i32>} : memref<640xf32, #tpu.memory_space<vmem>>, vector<16xf32>,
      tpu.vector_store %arg11[%swap3A_81], %mul3A_78 {strides = array<i32>} : memref<640xf32, #tpu.memory_space<vmem>>, vector<16xf32>,
      %scan3A_83 = arith.constant 0 : i32
      %scan3A_84 = arith.constant 1 : i32
      %scan3A_85 = arith.addi %scan3A_38, %scan3A_84 : i32
      %mul3A_86 = arith.constant 16 : i32
      %mul3A_87 = arith.muli %scan3A_85, %mul3A_86 : i32
      %get3A_88 = arith.index_cast %mul3A_87 : i32 to index
      %get3A_89 = tpu.vector_load %arg10[%get3A_88] {strides = array<i32>} : memref<640xf32, #tpu.memory_space<vmem>>, vector<16xf32>,
      %bitcast_convert_type3A_90 = tpu.bitcast %get3A_89 : vector<16xf32> -> vector<16xi32>
      %shift_right_logical3A_91 = arith.constant 1 : i32
      %shift_right_logical3A_92 = vector.broadcast %shift_right_logical3A_91 : i32 to vector<16xi32>
      %shift_right_logical3A_93 = arith.shrui %bitcast_convert_type3A_90, %shift_right_logical3A_92 : vector<16xi32>
      %sub3A_94 = arith.constant 1597463007 : i32
      %sub3A_95 = vector.broadcast %sub3A_94 : i32 to vector<16xi32>
      %sub3A_96 = arith.subi %sub3A_95, %shift_right_logical3A_93 : vector<16xi32>
      %bitcast_convert_type3A_97 = tpu.bitcast %sub3A_96 : vector<16xi32> -> vector<16xf32>
      %mul3A_98 = arith.constant 5.000000e-01 : f32
      %mul3A_99 = vector.broadcast %mul3A_98 : f32 to vector<16xf32>
      %mul3A_100 = arith.mulf %get3A_89, %mul3A_99 : vector<16xf32>
      %mul3A_101 = arith.mulf %mul3A_100, %bitcast_convert_type3A_97 : vector<16xf32>
      %mul3A_102 = arith.mulf %mul3A_101, %bitcast_convert_type3A_97 : vector<16xf32>
      %sub3A_103 = arith.constant 1.500000e+00 : f32
      %sub3A_104 = vector.broadcast %sub3A_103 : f32 to vector<16xf32>
      %sub3A_105 = arith.subf %sub3A_104, %mul3A_102 : vector<16xf32>
      %mul3A_106 = arith.mulf %bitcast_convert_type3A_97, %sub3A_105 : vector<16xf32>
      %mul3A_107 = arith.mulf %mul3A_100, %mul3A_106 : vector<16xf32>
      %mul3A_108 = arith.mulf %mul3A_107, %mul3A_106 : vector<16xf32>
      %sub3A_109 = arith.constant 1.500000e+00 : f32
      %sub3A_110 = vector.broadcast %sub3A_109 : f32 to vector<16xf32>
      %sub3A_111 = arith.subf %sub3A_110, %mul3A_108 : vector<16xf32>
      %mul3A_112 = arith.mulf %mul3A_106, %sub3A_111 : vector<16xf32>
      %mul3A_113 = arith.mulf %mul3A_100, %mul3A_112 : vector<16xf32>
      %mul3A_114 = arith.mulf %mul3A_113, %mul3A_112 : vector<16xf32>
      %sub3A_115 = arith.constant 1.500000e+00 : f32
      %sub3A_116 = vector.broadcast %sub3A_115 : f32 to vector<16xf32>
      %sub3A_117 = arith.subf %sub3A_116, %mul3A_114 : vector<16xf32>
      %mul3A_118 = arith.mulf %mul3A_112, %sub3A_117 : vector<16xf32>
      %mul3A_119 = arith.mulf %mul3A_100, %mul3A_118 : vector<16xf32>
      %mul3A_120 = arith.mulf %mul3A_119, %mul3A_118 : vector<16xf32>
      %sub3A_121 = arith.constant 1.500000e+00 : f32
      %sub3A_122 = vector.broadcast %sub3A_121 : f32 to vector<16xf32>
      %sub3A_123 = arith.subf %sub3A_122, %mul3A_120 : vector<16xf32>
      %mul3A_124 = arith.mulf %mul3A_118, %sub3A_123 : vector<16xf32>
      %mul3A_125 = arith.constant 16 : i32
      %mul3A_126 = arith.muli %scan3A_85, %mul3A_125 : i32
      %swap3A_127 = arith.index_cast %mul3A_126 : i32 to index
      %swap3A_128 = tpu.vector_load %arg10[%swap3A_127] {strides = array<i32>} : memref<640xf32, #tpu.memory_space<vmem>>, vector<16xf32>,
      tpu.vector_store %arg10[%swap3A_127], %mul3A_124 {strides = array<i32>} : memref<640xf32, #tpu.memory_space<vmem>>, vector<16xf32>,
      %mul3A_129 = arith.mulf %mul3A_124, %mul3A_124 : vector<16xf32>
      %mul3A_130 = arith.constant 16 : i32
      %mul3A_131 = arith.muli %scan3A_85, %mul3A_130 : i32
      %swap3A_132 = arith.index_cast %mul3A_131 : i32 to index
      %swap3A_133 = tpu.vector_load %arg11[%swap3A_132] {strides = array<i32>} : memref<640xf32, #tpu.memory_space<vmem>>, vector<16xf32>,
      tpu.vector_store %arg11[%swap3A_132], %mul3A_129 {strides = array<i32>} : memref<640xf32, #tpu.memory_space<vmem>>, vector<16xf32>,
      %scan3A_134 = arith.constant 0 : i32
      %scan3A_135 = arith.constant 2 : i32
      %scan3A_136 = arith.addi %scan3A_38, %scan3A_135 : i32
      %mul3A_137 = arith.constant 16 : i32
      %mul3A_138 = arith.muli %scan3A_136, %mul3A_137 : i32
      %get3A_139 = arith.index_cast %mul3A_138 : i32 to index
      %get3A_140 = tpu.vector_load %arg10[%get3A_139] {strides = array<i32>} : memref<640xf32, #tpu.memory_space<vmem>>, vector<16xf32>,
      %bitcast_convert_type3A_141 = tpu.bitcast %get3A_140 : vector<16xf32> -> vector<16xi32>
      %shift_right_logical3A_142 = arith.constant 1 : i32
      %shift_right_logical3A_143 = vector.broadcast %shift_right_logical3A_142 : i32 to vector<16xi32>
      %shift_right_logical3A_144 = arith.shrui %bitcast_convert_type3A_141, %shift_right_logical3A_143 : vector<16xi32>
      %sub3A_145 = arith.constant 1597463007 : i32
      %sub3A_146 = vector.broadcast %sub3A_145 : i32 to vector<16xi32>
      %sub3A_147 = arith.subi %sub3A_146, %shift_right_logical3A_144 : vector<16xi32>
      %bitcast_convert_type3A_148 = tpu.bitcast %sub3A_147 : vector<16xi32> -> vector<16xf32>
      %mul3A_149 = arith.constant 5.000000e-01 : f32
      %mul3A_150 = vector.broadcast %mul3A_149 : f32 to vector<16xf32>
      %mul3A_151 = arith.mulf %get3A_140, %mul3A_150 : vector<16xf32>
      %mul3A_152 = arith.mulf %mul3A_151, %bitcast_convert_type3A_148 : vector<16xf32>
      %mul3A_153 = arith.mulf %mul3A_152, %bitcast_convert_type3A_148 : vector<16xf32>
      %sub3A_154 = arith.constant 1.500000e+00 : f32
      %sub3A_155 = vector.broadcast %sub3A_154 : f32 to vector<16xf32>
      %sub3A_156 = arith.subf %sub3A_155, %mul3A_153 : vector<16xf32>
      %mul3A_157 = arith.mulf %bitcast_convert_type3A_148, %sub3A_156 : vector<16xf32>
      %mul3A_158 = arith.mulf %mul3A_151, %mul3A_157 : vector<16xf32>
      %mul3A_159 = arith.mulf %mul3A_158, %mul3A_157 : vector<16xf32>
      %sub3A_160 = arith.constant 1.500000e+00 : f32
      %sub3A_161 = vector.broadcast %sub3A_160 : f32 to vector<16xf32>
      %sub3A_162 = arith.subf %sub3A_161, %mul3A_159 : vector<16xf32>
      %mul3A_163 = arith.mulf %mul3A_157, %sub3A_162 : vector<16xf32>
      %mul3A_164 = arith.mulf %mul3A_151, %mul3A_163 : vector<16xf32>
      %mul3A_165 = arith.mulf %mul3A_164, %mul3A_163 : vector<16xf32>
      %sub3A_166 = arith.constant 1.500000e+00 : f32
      %sub3A_167 = vector.broadcast %sub3A_166 : f32 to vector<16xf32>
      %sub3A_168 = arith.subf %sub3A_167, %mul3A_165 : vector<16xf32>
      %mul3A_169 = arith.mulf %mul3A_163, %sub3A_168 : vector<16xf32>
      %mul3A_170 = arith.mulf %mul3A_151, %mul3A_169 : vector<16xf32>
      %mul3A_171 = arith.mulf %mul3A_170, %mul3A_169 : vector<16xf32>
      %sub3A_172 = arith.constant 1.500000e+00 : f32
      %sub3A_173 = vector.broadcast %sub3A_172 : f32 to vector<16xf32>
      %sub3A_174 = arith.subf %sub3A_173, %mul3A_171 : vector<16xf32>
      %mul3A_175 = arith.mulf %mul3A_169, %sub3A_174 : vector<16xf32>
      %mul3A_176 = arith.constant 16 : i32
      %mul3A_177 = arith.muli %scan3A_136, %mul3A_176 : i32
      %swap3A_178 = arith.index_cast %mul3A_177 : i32 to index
      %swap3A_179 = tpu.vector_load %arg10[%swap3A_178] {strides = array<i32>} : memref<640xf32, #tpu.memory_space<vmem>>, vector<16xf32>,
      tpu.vector_store %arg10[%swap3A_178], %mul3A_175 {strides = array<i32>} : memref<640xf32, #tpu.memory_space<vmem>>, vector<16xf32>,
      %mul3A_180 = arith.mulf %mul3A_175, %mul3A_175 : vector<16xf32>
      %mul3A_181 = arith.constant 16 : i32
      %mul3A_182 = arith.muli %scan3A_136, %mul3A_181 : i32
      %swap3A_183 = arith.index_cast %mul3A_182 : i32 to index
      %swap3A_184 = tpu.vector_load %arg11[%swap3A_183] {strides = array<i32>} : memref<640xf32, #tpu.memory_space<vmem>>, vector<16xf32>,
      tpu.vector_store %arg11[%swap3A_183], %mul3A_180 {strides = array<i32>} : memref<640xf32, #tpu.memory_space<vmem>>, vector<16xf32>,
      %scan3A_185 = arith.constant 0 : i32
      %scan3A_186 = arith.constant 3 : i32
      %scan3A_187 = arith.addi %scan3A_38, %scan3A_186 : i32
      %mul3A_188 = arith.constant 16 : i32
      %mul3A_189 = arith.muli %scan3A_187, %mul3A_188 : i32
      %get3A_190 = arith.index_cast %mul3A_189 : i32 to index
      %get3A_191 = tpu.vector_load %arg10[%get3A_190] {strides = array<i32>} : memref<640xf32, #tpu.memory_space<vmem>>, vector<16xf32>,
      %bitcast_convert_type3A_192 = tpu.bitcast %get3A_191 : vector<16xf32> -> vector<16xi32>
      %shift_right_logical3A_193 = arith.constant 1 : i32
      %shift_right_logical3A_194 = vector.broadcast %shift_right_logical3A_193 : i32 to vector<16xi32>
      %shift_right_logical3A_195 = arith.shrui %bitcast_convert_type3A_192, %shift_right_logical3A_194 : vector<16xi32>
      %sub3A_196 = arith.constant 1597463007 : i32
      %sub3A_197 = vector.broadcast %sub3A_196 : i32 to vector<16xi32>
      %sub3A_198 = arith.subi %sub3A_197, %shift_right_logical3A_195 : vector<16xi32>
      %bitcast_convert_type3A_199 = tpu.bitcast %sub3A_198 : vector<16xi32> -> vector<16xf32>
      %mul3A_200 = arith.constant 5.000000e-01 : f32
      %mul3A_201 = vector.broadcast %mul3A_200 : f32 to vector<16xf32>
      %mul3A_202 = arith.mulf %get3A_191, %mul3A_201 : vector<16xf32>
      %mul3A_203 = arith.mulf %mul3A_202, %bitcast_convert_type3A_199 : vector<16xf32>
      %mul3A_204 = arith.mulf %mul3A_203, %bitcast_convert_type3A_199 : vector<16xf32>
      %sub3A_205 = arith.constant 1.500000e+00 : f32
      %sub3A_206 = vector.broadcast %sub3A_205 : f32 to vector<16xf32>
      %sub3A_207 = arith.subf %sub3A_206, %mul3A_204 : vector<16xf32>
      %mul3A_208 = arith.mulf %bitcast_convert_type3A_199, %sub3A_207 : vector<16xf32>
      %mul3A_209 = arith.mulf %mul3A_202, %mul3A_208 : vector<16xf32>
      %mul3A_210 = arith.mulf %mul3A_209, %mul3A_208 : vector<16xf32>
      %sub3A_211 = arith.constant 1.500000e+00 : f32
      %sub3A_212 = vector.broadcast %sub3A_211 : f32 to vector<16xf32>
      %sub3A_213 = arith.subf %sub3A_212, %mul3A_210 : vector<16xf32>
      %mul3A_214 = arith.mulf %mul3A_208, %sub3A_213 : vector<16xf32>
      %mul3A_215 = arith.mulf %mul3A_202, %mul3A_214 : vector<16xf32>
      %mul3A_216 = arith.mulf %mul3A_215, %mul3A_214 : vector<16xf32>
      %sub3A_217 = arith.constant 1.500000e+00 : f32
      %sub3A_218 = vector.broadcast %sub3A_217 : f32 to vector<16xf32>
      %sub3A_219 = arith.subf %sub3A_218, %mul3A_216 : vector<16xf32>
      %mul3A_220 = arith.mulf %mul3A_214, %sub3A_219 : vector<16xf32>
      %mul3A_221 = arith.mulf %mul3A_202, %mul3A_220 : vector<16xf32>
      %mul3A_222 = arith.mulf %mul3A_221, %mul3A_220 : vector<16xf32>
      %sub3A_223 = arith.constant 1.500000e+00 : f32
      %sub3A_224 = vector.broadcast %sub3A_223 : f32 to vector<16xf32>
      %sub3A_225 = arith.subf %sub3A_224, %mul3A_222 : vector<16xf32>
      %mul3A_226 = arith.mulf %mul3A_220, %sub3A_225 : vector<16xf32>
      %mul3A_227 = arith.constant 16 : i32
      %mul3A_228 = arith.muli %scan3A_187, %mul3A_227 : i32
      %swap3A_229 = arith.index_cast %mul3A_228 : i32 to index
      %swap3A_230 = tpu.vector_load %arg10[%swap3A_229] {strides = array<i32>} : memref<640xf32, #tpu.memory_space<vmem>>, vector<16xf32>,
      tpu.vector_store %arg10[%swap3A_229], %mul3A_226 {strides = array<i32>} : memref<640xf32, #tpu.memory_space<vmem>>, vector<16xf32>,
      %mul3A_231 = arith.mulf %mul3A_226, %mul3A_226 : vector<16xf32>
      %mul3A_232 = arith.constant 16 : i32
      %mul3A_233 = arith.muli %scan3A_187, %mul3A_232 : i32
      %swap3A_234 = arith.index_cast %mul3A_233 : i32 to index
      %swap3A_235 = tpu.vector_load %arg11[%swap3A_234] {strides = array<i32>} : memref<640xf32, #tpu.memory_space<vmem>>, vector<16xf32>,
      tpu.vector_store %arg11[%swap3A_234], %mul3A_231 {strides = array<i32>} : memref<640xf32, #tpu.memory_space<vmem>>, vector<16xf32>,
      %scan3A_236 = arith.constant 0 : i32
      scf.yield %scan3A_236 : i32
    }
    %scan3A_25 = arith.constant 40 : i32
    %mul3A_26 = arith.constant 640 : i32
    %mul3A_27 = arith.muli %arg1, %mul3A_26 : i32
    "tpu.region"() ({
      %run_scoped3A = tpu.sem_alloc : memref<!tpu.dma_semaphore, #tpu.memory_space<semaphore_mem>>
      %dma_start3A = tpu.memref_slice %arg15[%mul3A_27] : memref<10240xf32, #tpu.memory_space<vmem_shared>> -> memref<640xf32, #tpu.memory_space<vmem_shared>>
      %dma_start3A_38 = tpu.memref_slice %arg15[%mul3A_27] : memref<10240xf32, #tpu.memory_space<vmem_shared>> -> memref<640xf32, #tpu.memory_space<vmem_shared>>
      tpu.enqueue_dma source(%arg10 : memref<640xf32, #tpu.memory_space<vmem>>) target(%dma_start3A_38 : memref<640xf32, #tpu.memory_space<vmem_shared>>) target_semaphore(%run_scoped3A : memref<!tpu.dma_semaphore, #tpu.memory_space<semaphore_mem>>)
      %dma_wait3A = tpu.memref_slice %arg15[%mul3A_27] : memref<10240xf32, #tpu.memory_space<vmem_shared>> -> memref<640xf32, #tpu.memory_space<vmem_shared>>
      %dma_wait3A_39 = tpu.memref_slice %arg15[%mul3A_27] : memref<10240xf32, #tpu.memory_space<vmem_shared>> -> memref<640xf32, #tpu.memory_space<vmem_shared>>
      tpu.wait_dma2 semaphore(%run_scoped3A : memref<!tpu.dma_semaphore, #tpu.memory_space<semaphore_mem>>) src(%arg10 : memref<640xf32, #tpu.memory_space<vmem>>) dst(%dma_wait3A_39 : memref<640xf32, #tpu.memory_space<vmem_shared>>)
      tpu.yield
    }) : () -> ()
    %eq3A = arith.constant 0 : i32
    %eq3A_28 = arith.cmpi eq, %arg0, %eq3A : i32
    %convert_element_type3A = arith.extui %eq3A_28 : i1 to i32
    %cond3A = arith.constant 0 : i32
    %cond3A_29 = arith.cmpi ne, %convert_element_type3A, %cond3A : i32
    scf.if %cond3A_29 {
      %mul3A_38 = arith.constant 640 : i32
      %mul3A_39 = arith.muli %arg1, %mul3A_38 : i32
      "tpu.region"() ({
        %run_scoped3A = tpu.sem_alloc : memref<!tpu.dma_semaphore, #tpu.memory_space<semaphore_mem>>
        %dma_start3A = tpu.memref_slice %arg6[%mul3A_39] : memref<10240xf32, #tpu.memory_space<hbm>> -> memref<640xf32, #tpu.memory_space<hbm>>
        %dma_start3A_40 = tpu.memref_slice %arg6[%mul3A_39] : memref<10240xf32, #tpu.memory_space<hbm>> -> memref<640xf32, #tpu.memory_space<hbm>>
        tpu.enqueue_dma source(%arg11 : memref<640xf32, #tpu.memory_space<vmem>>) target(%dma_start3A_40 : memref<640xf32, #tpu.memory_space<hbm>>) target_semaphore(%run_scoped3A : memref<!tpu.dma_semaphore, #tpu.memory_space<semaphore_mem>>)
        %dma_wait3A = tpu.memref_slice %arg6[%mul3A_39] : memref<10240xf32, #tpu.memory_space<hbm>> -> memref<640xf32, #tpu.memory_space<hbm>>
        %dma_wait3A_41 = tpu.memref_slice %arg6[%mul3A_39] : memref<10240xf32, #tpu.memory_space<hbm>> -> memref<640xf32, #tpu.memory_space<hbm>>
        tpu.wait_dma2 semaphore(%run_scoped3A : memref<!tpu.dma_semaphore, #tpu.memory_space<semaphore_mem>>) src(%arg11 : memref<640xf32, #tpu.memory_space<vmem>>) dst(%dma_wait3A_41 : memref<640xf32, #tpu.memory_space<hbm>>)
        tpu.yield
      }) : () -> ()
    } else {
    }
    %barrier3A_30 = arith.constant 0 : index
    tpu.barrier barrier_id(%barrier3A_30)
    "tpu.region"() ({
      %run_scoped3A = tpu.sem_alloc : memref<!tpu.dma_semaphore, #tpu.memory_space<semaphore_mem>>
      tpu.enqueue_dma source(%arg15 : memref<10240xf32, #tpu.memory_space<vmem_shared>>) target(%arg12 : memref<10240xf32, #tpu.memory_space<vmem>>) target_semaphore(%run_scoped3A : memref<!tpu.dma_semaphore, #tpu.memory_space<semaphore_mem>>)
      tpu.wait_dma2 semaphore(%run_scoped3A : memref<!tpu.dma_semaphore, #tpu.memory_space<semaphore_mem>>) src(%arg15 : memref<10240xf32, #tpu.memory_space<vmem_shared>>) dst(%arg12 : memref<10240xf32, #tpu.memory_space<vmem>>)
      tpu.yield
    }) : () -> ()
    %scan3A_31 = arith.constant 0 : i32
    %scan3A_32 = arith.constant 0 : i32
    %scan3A_33 = arith.constant 125 : i32
    %scan3A_34 = arith.addi %scan3A_32, %scan3A_33 : i32
    %scan3A_35 = arith.constant 1 : i32
    %scan3A_36 = scf.for %scan3A_38 = %scan3A_32 to %scan3A_34 step %scan3A_35 iter_args(%scan3A_39 = %scan3A_31) -> (i32)  : i32 {
      %mul3A_40 = arith.constant 10000 : i32
      %mul3A_41 = arith.muli %add3A, %mul3A_40 : i32
      %mul3A_42 = arith.constant 80 : i32
      %mul3A_43 = arith.muli %scan3A_38, %mul3A_42 : i32
      %add3A_44 = arith.addi %mul3A_41, %mul3A_43 : i32
      %multiple_of3A = tpu.assume_multiple %add3A_44, 8 : i32
      "tpu.region"() ({
        %run_scoped3A = tpu.sem_alloc : memref<!tpu.dma_semaphore, #tpu.memory_space<semaphore_mem>>
        %dma_start3A = tpu.memref_slice %arg3[%multiple_of3A] : memref<320000xi32, #tpu.memory_space<hbm>> -> memref<80xi32, #tpu.memory_space<hbm>>
        %dma_start3A_155 = tpu.memref_slice %arg3[%multiple_of3A] : memref<320000xi32, #tpu.memory_space<hbm>> -> memref<80xi32, #tpu.memory_space<hbm>>
        tpu.enqueue_dma source(%dma_start3A_155 : memref<80xi32, #tpu.memory_space<hbm>>) target(%arg8 : memref<80xi32, #tpu.memory_space<vmem>>) target_semaphore(%run_scoped3A : memref<!tpu.dma_semaphore, #tpu.memory_space<semaphore_mem>>)
        %dma_wait3A = tpu.memref_slice %arg3[%multiple_of3A] : memref<320000xi32, #tpu.memory_space<hbm>> -> memref<80xi32, #tpu.memory_space<hbm>>
        %dma_wait3A_156 = tpu.memref_slice %arg3[%multiple_of3A] : memref<320000xi32, #tpu.memory_space<hbm>> -> memref<80xi32, #tpu.memory_space<hbm>>
        tpu.wait_dma2 semaphore(%run_scoped3A : memref<!tpu.dma_semaphore, #tpu.memory_space<semaphore_mem>>) src(%dma_wait3A_156 : memref<80xi32, #tpu.memory_space<hbm>>) dst(%arg8 : memref<80xi32, #tpu.memory_space<vmem>>)
        tpu.yield
      }) : () -> ()
      "tpu.region"() ({
        %run_scoped3A = tpu.sem_alloc : memref<!tpu.dma_semaphore, #tpu.memory_space<semaphore_mem>>
        %dma_start3A = tpu.memref_slice %arg2[%multiple_of3A] : memref<320000xi32, #tpu.memory_space<hbm>> -> memref<80xi32, #tpu.memory_space<hbm>>
        %dma_start3A_155 = tpu.memref_slice %arg2[%multiple_of3A] : memref<320000xi32, #tpu.memory_space<hbm>> -> memref<80xi32, #tpu.memory_space<hbm>>
        tpu.enqueue_dma source(%dma_start3A_155 : memref<80xi32, #tpu.memory_space<hbm>>) target(%arg7 : memref<80xi32, #tpu.memory_space<vmem>>) target_semaphore(%run_scoped3A : memref<!tpu.dma_semaphore, #tpu.memory_space<semaphore_mem>>)
        %dma_wait3A = tpu.memref_slice %arg2[%multiple_of3A] : memref<320000xi32, #tpu.memory_space<hbm>> -> memref<80xi32, #tpu.memory_space<hbm>>
        %dma_wait3A_156 = tpu.memref_slice %arg2[%multiple_of3A] : memref<320000xi32, #tpu.memory_space<hbm>> -> memref<80xi32, #tpu.memory_space<hbm>>
        tpu.wait_dma2 semaphore(%run_scoped3A : memref<!tpu.dma_semaphore, #tpu.memory_space<semaphore_mem>>) src(%dma_wait3A_156 : memref<80xi32, #tpu.memory_space<hbm>>) dst(%arg7 : memref<80xi32, #tpu.memory_space<vmem>>)
        tpu.yield
      }) : () -> ()
      "tpu.region"() ({
        %run_scoped3A = tpu.sem_alloc : memref<!tpu.dma_semaphore, #tpu.memory_space<semaphore_mem>>
        %dma_start3A = tpu.memref_slice %arg4[%multiple_of3A] : memref<320000xf32, #tpu.memory_space<hbm>> -> memref<80xf32, #tpu.memory_space<hbm>>
        %dma_start3A_155 = tpu.memref_slice %arg4[%multiple_of3A] : memref<320000xf32, #tpu.memory_space<hbm>> -> memref<80xf32, #tpu.memory_space<hbm>>
        tpu.enqueue_dma source(%dma_start3A_155 : memref<80xf32, #tpu.memory_space<hbm>>) target(%arg9 : memref<80xf32, #tpu.memory_space<vmem>>) target_semaphore(%run_scoped3A : memref<!tpu.dma_semaphore, #tpu.memory_space<semaphore_mem>>)
        %dma_wait3A = tpu.memref_slice %arg4[%multiple_of3A] : memref<320000xf32, #tpu.memory_space<hbm>> -> memref<80xf32, #tpu.memory_space<hbm>>
        %dma_wait3A_156 = tpu.memref_slice %arg4[%multiple_of3A] : memref<320000xf32, #tpu.memory_space<hbm>> -> memref<80xf32, #tpu.memory_space<hbm>>
        tpu.wait_dma2 semaphore(%run_scoped3A : memref<!tpu.dma_semaphore, #tpu.memory_space<semaphore_mem>>) src(%dma_wait3A_156 : memref<80xf32, #tpu.memory_space<hbm>>) dst(%arg9 : memref<80xf32, #tpu.memory_space<vmem>>)
        tpu.yield
      }) : () -> ()
      %scan3A_45 = arith.constant 0 : i32
      %scan3A_46 = arith.constant 0 : i32
      %mul3A_47 = arith.constant 16 : i32
      %mul3A_48 = arith.muli %scan3A_46, %mul3A_47 : i32
      %get3A = arith.index_cast %mul3A_48 : i32 to index
      %get3A_49 = tpu.vector_load %arg7[%get3A] {strides = array<i32>} : memref<80xi32, #tpu.memory_space<vmem>>, vector<16xi32>,
      %mul3A_50 = arith.constant 16 : i32
      %mul3A_51 = arith.muli %scan3A_46, %mul3A_50 : i32
      %get3A_52 = arith.index_cast %mul3A_51 : i32 to index
      %get3A_53 = tpu.vector_load %arg8[%get3A_52] {strides = array<i32>} : memref<80xi32, #tpu.memory_space<vmem>>, vector<16xi32>,
      %mul3A_54 = arith.constant 16 : i32
      %mul3A_55 = arith.muli %scan3A_46, %mul3A_54 : i32
      %get3A_56 = arith.index_cast %mul3A_55 : i32 to index
      %get3A_57 = tpu.vector_load %arg9[%get3A_56] {strides = array<i32>} : memref<80xf32, #tpu.memory_space<vmem>>, vector<16xf32>,
      %gather3A = tpu.vector_load_idx %arg12[%get3A_49] : memref<10240xf32, #tpu.memory_space<vmem>>[vector<16xi32>], vector<16xf32>,
      %gather3A_58 = tpu.vector_load_idx %arg12[%get3A_53] : memref<10240xf32, #tpu.memory_space<vmem>>[vector<16xi32>], vector<16xf32>,
      %mul3A_59 = arith.mulf %gather3A, %get3A_57 : vector<16xf32>
      %mul3A_60 = arith.mulf %mul3A_59, %gather3A_58 : vector<16xf32>
      %mul3A_61 = arith.constant 16 : i32
      %mul3A_62 = arith.muli %scan3A_46, %mul3A_61 : i32
      %swap3A = arith.index_cast %mul3A_62 : i32 to index
      %swap3A_63 = tpu.vector_load %arg13[%swap3A] {strides = array<i32>} : memref<80xf32, #tpu.memory_space<vmem>>, vector<16xf32>,
      tpu.vector_store %arg13[%swap3A], %mul3A_60 {strides = array<i32>} : memref<80xf32, #tpu.memory_space<vmem>>, vector<16xf32>,
      %scan3A_64 = arith.constant 0 : i32
      %scan3A_65 = arith.constant 1 : i32
      %mul3A_66 = arith.constant 16 : i32
      %mul3A_67 = arith.muli %scan3A_65, %mul3A_66 : i32
      %get3A_68 = arith.index_cast %mul3A_67 : i32 to index
      %get3A_69 = tpu.vector_load %arg7[%get3A_68] {strides = array<i32>} : memref<80xi32, #tpu.memory_space<vmem>>, vector<16xi32>,
      %mul3A_70 = arith.constant 16 : i32
      %mul3A_71 = arith.muli %scan3A_65, %mul3A_70 : i32
      %get3A_72 = arith.index_cast %mul3A_71 : i32 to index
      %get3A_73 = tpu.vector_load %arg8[%get3A_72] {strides = array<i32>} : memref<80xi32, #tpu.memory_space<vmem>>, vector<16xi32>,
      %mul3A_74 = arith.constant 16 : i32
      %mul3A_75 = arith.muli %scan3A_65, %mul3A_74 : i32
      %get3A_76 = arith.index_cast %mul3A_75 : i32 to index
      %get3A_77 = tpu.vector_load %arg9[%get3A_76] {strides = array<i32>} : memref<80xf32, #tpu.memory_space<vmem>>, vector<16xf32>,
      %gather3A_78 = tpu.vector_load_idx %arg12[%get3A_69] : memref<10240xf32, #tpu.memory_space<vmem>>[vector<16xi32>], vector<16xf32>,
      %gather3A_79 = tpu.vector_load_idx %arg12[%get3A_73] : memref<10240xf32, #tpu.memory_space<vmem>>[vector<16xi32>], vector<16xf32>,
      %mul3A_80 = arith.mulf %gather3A_78, %get3A_77 : vector<16xf32>
      %mul3A_81 = arith.mulf %mul3A_80, %gather3A_79 : vector<16xf32>
      %mul3A_82 = arith.constant 16 : i32
      %mul3A_83 = arith.muli %scan3A_65, %mul3A_82 : i32
      %swap3A_84 = arith.index_cast %mul3A_83 : i32 to index
      %swap3A_85 = tpu.vector_load %arg13[%swap3A_84] {strides = array<i32>} : memref<80xf32, #tpu.memory_space<vmem>>, vector<16xf32>,
      tpu.vector_store %arg13[%swap3A_84], %mul3A_81 {strides = array<i32>} : memref<80xf32, #tpu.memory_space<vmem>>, vector<16xf32>,
      %scan3A_86 = arith.constant 0 : i32
      %scan3A_87 = arith.constant 2 : i32
      %mul3A_88 = arith.constant 16 : i32
      %mul3A_89 = arith.muli %scan3A_87, %mul3A_88 : i32
      %get3A_90 = arith.index_cast %mul3A_89 : i32 to index
      %get3A_91 = tpu.vector_load %arg7[%get3A_90] {strides = array<i32>} : memref<80xi32, #tpu.memory_space<vmem>>, vector<16xi32>,
      %mul3A_92 = arith.constant 16 : i32
      %mul3A_93 = arith.muli %scan3A_87, %mul3A_92 : i32
      %get3A_94 = arith.index_cast %mul3A_93 : i32 to index
      %get3A_95 = tpu.vector_load %arg8[%get3A_94] {strides = array<i32>} : memref<80xi32, #tpu.memory_space<vmem>>, vector<16xi32>,
      %mul3A_96 = arith.constant 16 : i32
      %mul3A_97 = arith.muli %scan3A_87, %mul3A_96 : i32
      %get3A_98 = arith.index_cast %mul3A_97 : i32 to index
      %get3A_99 = tpu.vector_load %arg9[%get3A_98] {strides = array<i32>} : memref<80xf32, #tpu.memory_space<vmem>>, vector<16xf32>,
      %gather3A_100 = tpu.vector_load_idx %arg12[%get3A_91] : memref<10240xf32, #tpu.memory_space<vmem>>[vector<16xi32>], vector<16xf32>,
      %gather3A_101 = tpu.vector_load_idx %arg12[%get3A_95] : memref<10240xf32, #tpu.memory_space<vmem>>[vector<16xi32>], vector<16xf32>,
      %mul3A_102 = arith.mulf %gather3A_100, %get3A_99 : vector<16xf32>
      %mul3A_103 = arith.mulf %mul3A_102, %gather3A_101 : vector<16xf32>
      %mul3A_104 = arith.constant 16 : i32
      %mul3A_105 = arith.muli %scan3A_87, %mul3A_104 : i32
      %swap3A_106 = arith.index_cast %mul3A_105 : i32 to index
      %swap3A_107 = tpu.vector_load %arg13[%swap3A_106] {strides = array<i32>} : memref<80xf32, #tpu.memory_space<vmem>>, vector<16xf32>,
      tpu.vector_store %arg13[%swap3A_106], %mul3A_103 {strides = array<i32>} : memref<80xf32, #tpu.memory_space<vmem>>, vector<16xf32>,
      %scan3A_108 = arith.constant 0 : i32
      %scan3A_109 = arith.constant 3 : i32
      %mul3A_110 = arith.constant 16 : i32
      %mul3A_111 = arith.muli %scan3A_109, %mul3A_110 : i32
      %get3A_112 = arith.index_cast %mul3A_111 : i32 to index
      %get3A_113 = tpu.vector_load %arg7[%get3A_112] {strides = array<i32>} : memref<80xi32, #tpu.memory_space<vmem>>, vector<16xi32>,
      %mul3A_114 = arith.constant 16 : i32
      %mul3A_115 = arith.muli %scan3A_109, %mul3A_114 : i32
      %get3A_116 = arith.index_cast %mul3A_115 : i32 to index
      %get3A_117 = tpu.vector_load %arg8[%get3A_116] {strides = array<i32>} : memref<80xi32, #tpu.memory_space<vmem>>, vector<16xi32>,
      %mul3A_118 = arith.constant 16 : i32
      %mul3A_119 = arith.muli %scan3A_109, %mul3A_118 : i32
      %get3A_120 = arith.index_cast %mul3A_119 : i32 to index
      %get3A_121 = tpu.vector_load %arg9[%get3A_120] {strides = array<i32>} : memref<80xf32, #tpu.memory_space<vmem>>, vector<16xf32>,
      %gather3A_122 = tpu.vector_load_idx %arg12[%get3A_113] : memref<10240xf32, #tpu.memory_space<vmem>>[vector<16xi32>], vector<16xf32>,
      %gather3A_123 = tpu.vector_load_idx %arg12[%get3A_117] : memref<10240xf32, #tpu.memory_space<vmem>>[vector<16xi32>], vector<16xf32>,
      %mul3A_124 = arith.mulf %gather3A_122, %get3A_121 : vector<16xf32>
      %mul3A_125 = arith.mulf %mul3A_124, %gather3A_123 : vector<16xf32>
      %mul3A_126 = arith.constant 16 : i32
      %mul3A_127 = arith.muli %scan3A_109, %mul3A_126 : i32
      %swap3A_128 = arith.index_cast %mul3A_127 : i32 to index
      %swap3A_129 = tpu.vector_load %arg13[%swap3A_128] {strides = array<i32>} : memref<80xf32, #tpu.memory_space<vmem>>, vector<16xf32>,
      tpu.vector_store %arg13[%swap3A_128], %mul3A_125 {strides = array<i32>} : memref<80xf32, #tpu.memory_space<vmem>>, vector<16xf32>,
      %scan3A_130 = arith.constant 0 : i32
      %scan3A_131 = arith.constant 4 : i32
      %mul3A_132 = arith.constant 16 : i32
      %mul3A_133 = arith.muli %scan3A_131, %mul3A_132 : i32
      %get3A_134 = arith.index_cast %mul3A_133 : i32 to index
      %get3A_135 = tpu.vector_load %arg7[%get3A_134] {strides = array<i32>} : memref<80xi32, #tpu.memory_space<vmem>>, vector<16xi32>,
      %mul3A_136 = arith.constant 16 : i32
      %mul3A_137 = arith.muli %scan3A_131, %mul3A_136 : i32
      %get3A_138 = arith.index_cast %mul3A_137 : i32 to index
      %get3A_139 = tpu.vector_load %arg8[%get3A_138] {strides = array<i32>} : memref<80xi32, #tpu.memory_space<vmem>>, vector<16xi32>,
      %mul3A_140 = arith.constant 16 : i32
      %mul3A_141 = arith.muli %scan3A_131, %mul3A_140 : i32
      %get3A_142 = arith.index_cast %mul3A_141 : i32 to index
      %get3A_143 = tpu.vector_load %arg9[%get3A_142] {strides = array<i32>} : memref<80xf32, #tpu.memory_space<vmem>>, vector<16xf32>,
      %gather3A_144 = tpu.vector_load_idx %arg12[%get3A_135] : memref<10240xf32, #tpu.memory_space<vmem>>[vector<16xi32>], vector<16xf32>,
      %gather3A_145 = tpu.vector_load_idx %arg12[%get3A_139] : memref<10240xf32, #tpu.memory_space<vmem>>[vector<16xi32>], vector<16xf32>,
      %mul3A_146 = arith.mulf %gather3A_144, %get3A_143 : vector<16xf32>
      %mul3A_147 = arith.mulf %mul3A_146, %gather3A_145 : vector<16xf32>
      %mul3A_148 = arith.constant 16 : i32
      %mul3A_149 = arith.muli %scan3A_131, %mul3A_148 : i32
      %swap3A_150 = arith.index_cast %mul3A_149 : i32 to index
      %swap3A_151 = tpu.vector_load %arg13[%swap3A_150] {strides = array<i32>} : memref<80xf32, #tpu.memory_space<vmem>>, vector<16xf32>,
      tpu.vector_store %arg13[%swap3A_150], %mul3A_147 {strides = array<i32>} : memref<80xf32, #tpu.memory_space<vmem>>, vector<16xf32>,
      %scan3A_152 = arith.constant 0 : i32
      %scan3A_153 = arith.constant 5 : i32
      "tpu.region"() ({
        %run_scoped3A = tpu.sem_alloc : memref<!tpu.dma_semaphore, #tpu.memory_space<semaphore_mem>>
        %dma_start3A = tpu.memref_slice %arg5[%multiple_of3A] : memref<320000xf32, #tpu.memory_space<hbm>> -> memref<80xf32, #tpu.memory_space<hbm>>
        %dma_start3A_155 = tpu.memref_slice %arg5[%multiple_of3A] : memref<320000xf32, #tpu.memory_space<hbm>> -> memref<80xf32, #tpu.memory_space<hbm>>
        tpu.enqueue_dma source(%arg13 : memref<80xf32, #tpu.memory_space<vmem>>) target(%dma_start3A_155 : memref<80xf32, #tpu.memory_space<hbm>>) target_semaphore(%run_scoped3A : memref<!tpu.dma_semaphore, #tpu.memory_space<semaphore_mem>>)
        %dma_wait3A = tpu.memref_slice %arg5[%multiple_of3A] : memref<320000xf32, #tpu.memory_space<hbm>> -> memref<80xf32, #tpu.memory_space<hbm>>
        %dma_wait3A_156 = tpu.memref_slice %arg5[%multiple_of3A] : memref<320000xf32, #tpu.memory_space<hbm>> -> memref<80xf32, #tpu.memory_space<hbm>>
        tpu.wait_dma2 semaphore(%run_scoped3A : memref<!tpu.dma_semaphore, #tpu.memory_space<semaphore_mem>>) src(%arg13 : memref<80xf32, #tpu.memory_space<vmem>>) dst(%dma_wait3A_156 : memref<80xf32, #tpu.memory_space<hbm>>)
        tpu.yield
      }) : () -> ()
      %scan3A_154 = arith.constant 0 : i32
      scf.yield %scan3A_154 : i32
    }
    %scan3A_37 = arith.constant 125 : i32
    return
  }
}

</mosaic_0001>

<sc_bundles>
// kernel: _sc_prep.3.cloned.1.call-start
scs
__scs_entry_jumppad:
0x0: {  	(pc) =	sbr.rel $0x88, $3  }
0x1: {  	(tag) =	ssettag $0x0;
	lr =	simm.s32 $0x1  }
0x2: {  	[smem:$0x3F9E] =	sst lr;
	_ =	strace $0xD0000000  }
0x3: {  	_ = 	snop  }
0x4: {  	_ = 	snop  }
0x5: {  	_ = 	snop  }
0x6: {  	_ = 	snop  }
0x7: {  	_ = 	snop  }
__scs_overlays_trampoline_lowered:
0x8: {  	[smem:$0x3FAD] =	sst s0  }
0x9: {  	[smem:$0x3FAE] =	sst s1  }
0xa: {  	[smem:$0x3FAF] =	sst s2  }
0xb: {  	[smem:$0x3FB0] =	sst s3  }
0xc: {  	[smem:$0x3FB1] =	sst s4  }
0xd: {  	[smem:$0x3FB2] =	sst s5  }
0xe: {  	[smem:$0x3FB3] =	sst s6  }
0xf: {  	[smem:$0x3FB4] =	sst s7  }
0x10: {  	[smem:$0x3FB5] =	sst s8  }
0x11: {  	[smem:$0x3FB6] =	sst s9;
	s0 =	simm.s32 @!p0 $0x0  }
0x12: {  	s1 =	sld [smem:$0x3F9C];
	s0 =	simm.s32 @p0 $0x1  }
0x13: {  	[smem:$0x3FB7] =	sst s0;
	s0 =	simm.s32 @!p1 $0x0  }
0x14: {  	s2 =	sld [smem:$0x3F9B];
	s0 =	simm.s32 @p1 $0x1  }
0x15: {  	[smem:$0x3FB8] =	sst s0;
	s0 =	simm.s32 @!p2 $0x0  }
0x16: {  	s3 =	sld [smem:$0x3FDB];
	s0 =	simm.s32 @p2 $0x1  }
0x17: {  	s4 =	simm.s32 $0x1BF5;
	[smem:$0x3FBA] =	sst s0  }
0x18: {  	s0 =	sld [smem:$0x3F9D];
	_ =	swait.ge [sflag:s4], $0x0  }
0x19: {  	s7 =	sld [smem:$0x3F9E]  }
0x1a: {  	s8 =	sadd.s32 $0xFFFFE003, lr  }
0x1b: {  	s9 =	sadd.s32 $0xFFFFFEF7, lr;
	s5 =	simm.s32 $0xFFFFFFFF;
	p2 =	slt.u32 s8, $0xFFFFF086  }
0x1c: {  	p1 =	slt.u32 s9, $0xF7A;
	s5 =	simm.s32 @!p2 $0x0  }
0x1d: {  	s5 =	simm.s32 @p1 $0x1;
	p0 =	seq.s32 s7, s2  }
0x1e: {  	s7 =	smul.u32 @!p0 $0xF7A, s2;
	p2 =	seq.s32 @!p0 s5, $0x0  }
0x1f: {  	s9 =	smul.u32 $0xF7A, s1;
	s8 =	simm.s32 @!p0 $0x1BF5;
	p2 =	por !p2, p0  }
0x20: {  	[sflag:s8] =	ssyncset.s32 @!p0 $0xFFFFF086;
	s6 =	sadd.s32 @!p0 s3, s7;
	s7 =	simm.s32 @!p0 $0x108  }
0x21: {  	s3 =	sadd.s32 s3, s9;
	s6 =	sadd.s32 @!p0 $0x88, s6;
	s7 =	simm.s32 @p2 $0x1082  }
0x22: {  	[simem:s7], [sflag:s8] =	dma.local @!p0 [hbm:s6], $0xF7A  }
0x23: {  	s9 =	sor.u32 $0xD0000000, s2;
	s6 =	simm.s32 $0x108;
	_ =	swait.ge @!p0 [sflag:s8], $0x0  }
0x24: {  	s3 =	sadd.s32 $0x88, s3;
	s6 =	simm.s32 @!p1 $0x1082;
	[sflag:s4] =	ssyncset.s32 $0xFFFFF086  }
0x25: {  	[simem:s6], [sflag:s4] =	dma.local [hbm:s3], $0xF7A  }
0x26: {  	[smem:$0x3F9E] =	sst s1;
	(tag) =	ssettag s2;
	_ =	strace s9  }
0x27: {  	s1 =	sld [smem:$0x3FAE]  }
0x28: {  	s2 =	sld [smem:$0x3FAF]  }
0x29: {  	s4 =	sld [smem:$0x3FB1]  }
0x2a: {  	p0 =	seq.s32 s5, $0x0;
	s5 =	sld [smem:$0x3FB2]  }
0x2b: {  	s6 =	sld [smem:$0x3FB3]  }
0x2c: {  	s7 =	sld [smem:$0x3FB4]  }
0x2d: {  	s3 =	simm.s32 $0x108;
	s8 =	sld [smem:$0x3FB5]  }
0x2e: {  	s3 =	simm.s32 @!p0 $0x1082;
	s9 =	sld [smem:$0x3FB6]  }
0x2f: {  	lr =	sadd.s32 s0, s3;
	s0 =	sld [smem:$0x3FAD]  }
0x30: {  	s3 =	sld [smem:$0x3FB0]  }
0x31: {  	[smem:$0x3FB9] =	sst s10  }
0x32: {  	s10 =	sld [smem:$0x3FB7];
	_ =	sdelay $0x3  }
0x33: {  	p0 =	seq.s32 s10, $0x1;
	s10 =	sld [smem:$0x3FB9];
	_ =	sdelay $0x3  }
0x34: {  	[smem:$0x3FB9] =	sst s10  }
0x35: {  	s10 =	sld [smem:$0x3FB8];
	_ =	sdelay $0x3  }
0x36: {  	p1 =	seq.s32 s10, $0x1;
	s10 =	sld [smem:$0x3FB9];
	_ =	sdelay $0x3  }
0x37: {  	[smem:$0x3FB9] =	sst s10  }
0x38: {  	s10 =	sld [smem:$0x3FBA]  }
0x39: {  	_ = 	snop;
	(pc) =	sbr.ind lr, $3  }
0x3a: {  	_ = 	snop  }
0x3b: {  	_ = 	snop  }
0x3c: {  	p2 =	seq.s32 s10, $0x1;
	s10 =	sld [smem:$0x3FB9]  }
0x3d: {  	_ =	shalt  }
0x3e: {  	_ =	shalt  }
0x3f: {  	_ =	shalt  }
0x40: {  	_ =	shalt  }
0x41: {  	_ =	shalt  }
0x42: {  	_ =	shalt  }
0x43: {  	_ =	shalt  }
0x44: {  	_ =	shalt  }
0x45: {  	_ =	shalt  }
0x46: {  	_ =	shalt  }
0x47: {  	_ =	shalt  }
0x48: {  	_ =	shalt  }
0x49: {  	_ =	shalt  }
0x4a: {  	_ =	shalt  }
0x4b: {  	_ =	shalt  }
0x4c: {  	_ =	shalt  }
0x4d: {  	_ =	shalt  }
0x4e: {  	_ =	shalt  }
0x4f: {  	_ =	shalt  }
0x50: {  	_ =	shalt  }
0x51: {  	_ =	shalt  }
0x52: {  	_ =	shalt  }
0x53: {  	_ =	shalt  }
0x54: {  	_ =	shalt  }
0x55: {  	_ =	shalt  }
0x56: {  	_ =	shalt  }
0x57: {  	_ =	shalt  }
0x58: {  	_ =	shalt  }
0x59: {  	_ =	shalt  }
0x5a: {  	_ =	shalt  }
0x5b: {  	_ =	shalt  }
0x5c: {  	_ =	shalt  }
0x5d: {  	_ =	shalt  }
0x5e: {  	_ =	shalt  }
0x5f: {  	_ =	shalt  }
0x60: {  	_ =	shalt  }
0x61: {  	_ =	shalt  }
0x62: {  	_ =	shalt  }
0x63: {  	_ =	shalt  }
0x64: {  	_ =	shalt  }
0x65: {  	_ =	shalt  }
0x66: {  	_ =	shalt  }
0x67: {  	_ =	shalt  }
0x68: {  	_ =	shalt  }
0x69: {  	_ =	shalt  }
0x6a: {  	_ =	shalt  }
0x6b: {  	_ =	shalt  }
0x6c: {  	_ =	shalt  }
0x6d: {  	_ =	shalt  }
0x6e: {  	_ =	shalt  }
0x6f: {  	_ =	shalt  }
0x70: {  	_ =	shalt  }
0x71: {  	_ =	shalt  }
0x72: {  	_ =	shalt  }
0x73: {  	_ =	shalt  }
0x74: {  	_ =	shalt  }
0x75: {  	_ =	shalt  }
0x76: {  	_ =	shalt  }
0x77: {  	_ =	shalt  }
0x78: {  	_ =	shalt  }
0x79: {  	_ =	shalt  }
0x7a: {  	_ =	shalt  }
0x7b: {  	_ =	shalt  }
0x7c: {  	_ =	shalt  }
0x7d: {  	_ =	shalt  }
0x7e: {  	_ =	shalt  }
0x7f: {  	_ =	shalt  }
0x80: {  	_ =	shalt  }
0x81: {  	_ =	shalt  }
0x82: {  	_ =	shalt  }
0x83: {  	_ =	shalt  }
0x84: {  	_ =	shalt  }
0x85: {  	_ =	shalt  }
0x86: {  	_ =	shalt  }
0x87: {  	_ =	shalt  }
.Lfunc_end0:
.L_simem_size_0:
called_computation_lowered:
.L_overlay_start_0:
0x88: {  	s2 =	sld [smem:$0x3FD9]  }
0x89: {  	s3 =	sld [smem:$0x3FFE];
	_ =	sdelay $0x1  }
0x8a: {  	s1 =	srdreg.scid  }
0x8b: {  	s0 =	sand.u32 $0x1, s1  }
0x8c: {  	s15 =	sshll.u32 s0, $0xA;
	s2 =	sadd.s32 s3, s2  }
0x8d: {  	s2 =	sadd.s32 s2, s15  }
0x8e: {  	[smem:$0x3FC5] =	sst s2  }
0x8f: {  	_ = 	snop  }
0x90: {  	s2 =	sld [smem:$0x3FD0]  }
0x91: {  	s16 =	sld [smem:$0x3FC9]  }
0x92: {  	s4 =	sld [smem:$0x3FC8]  }
0x93: {  	s6 =	simm.s32 $0xA;
	s7 =	simm.s32 $0x10;
	s5 =	sld [smem:$0x3FC7]  }
0x94: {  	[smem:s7], [sflag:s6] =	dma.local [hbm:s2], $0x1  }
0x95: {  	_ =	swait.eq [sflag:s6], $0x1  }
0x96: {  	[sflag:s6] =	ssyncset.done $0x0  }
0x97: {  	s17 =	sld [smem:$0x10];
	[sflag:s6] =	ssyncadd.s32 $0xFFFFFFFF  }
0x98: {  	s18 =	sld [smem:$0x11];
	(tm) =	ssettm $0x1  }
0x99: {  	s19 =	sld [smem:$0x3FFB];
	_ =	sdelay $0x3  }
0x9a: {  	_ =	strace s19  }
0x9b: {  	s7 =	sld [smem:$0x3FFC];
	_ =	sdelay $0x3  }
0x9c: {  	_ =	strace s7  }
0x9d: {  	s7 =	sld [smem:$0x3FFD];
	_ =	sdelay $0x3  }
0x9e: {  	_ =	strace s7  }
0x9f: {  	_ =	strace $0x8FFFFFFF  }
0xa0: {  	s20 =	sld [smem:$0x3FDB];
	_ =	sdelay $0x1  }
0xa1: {  	s8 =	simm.s32 $_scs_section_size  }
0xa2: {  	s9 =	simm.s32 $_size__tile_overlayer_lowered;
	s10 =	simm.s32 $_tile_overlayer_lowered  }
0xa3: {  	s23 =	simm.s32 $0x1BFF;
	s22 =	sshll.u32 s10, $0x1;
	s7 =	sadd.s32 s8, s20  }
0xa4: {  	s11 =	simm.s32 $0x0;
	s21 =	sshll.u32 s9, $0x1;
	s9 =	sadd.s32 s22, s7  }
0xa5: {  	[timem:s11], [sflag:s23] =	dma.local [hbm:s9], s21  }
0xa6: {  	_ =	swait.ge [sflag:s23], s21  }
0xa7: {  	s8 =	ssub.s32 $0x0, s21;
	[sflag:s23] =	ssyncset.done $0x0  }
0xa8: {  	[sflag:s23] =	ssyncadd.s32 s8;
	_ =	sdelay $0x1  }
0xa9: {  	s24 =	simm.s32 $0x1B8B  }
0xaa: {  	_ =	swait.ge [sflag:s24], $0x1  }
0xab: {  	[sflag:s24] =	ssyncset.done $0x0  }
0xac: {  	s25 =	simm.s32 $0x1B8E;
	[sflag:s24] =	ssyncadd.s32 $0xFFFFFFFF  }
0xad: {  	s26 =	simm.s32 $execute0_lowered;
	[smem:$0x3FD2] =	sst s25  }
0xae: {  	s8 =	sshll.u32 s26, $0x1;
	_ =	strace $0x80000046;
	[dreg:$0x1] =	wrdreg $0xFFFFFFFF  }
0xaf: {  	s28 =	simm.s32 $_size_execute0_lowered;
	s7 =	sadd.s32 s7, s8;
	[dreg:$0x0] =	wrdreg $0x0  }
0xb0: {  	s8 =	sshll.u32 s28, $0x1;
	[dreg:$0x2] =	wrdreg s7  }
0xb1: {  	[dreg:$0x3] =	wrdreg s8  }
0xb2: {  	[dreg:$0x4] =	wrdreg $0xC0  }
0xb3: {  	_ =	task [dreg:s11], $0x5FFFF  }
0xb4: {  	[dreg:$0x1] =	wrdreg $0xFFFFFFFF  }
0xb5: {  	[dreg:$0x0] =	wrdreg $0x60  }
0xb6: {  	[dreg:$0x2] =	wrdreg s16  }
0xb7: {  	[dreg:$0x3] =	wrdreg s4  }
0xb8: {  	[dreg:$0x4] =	wrdreg s5  }
0xb9: {  	[dreg:$0x5] =	wrdreg s17  }
0xba: {  	[dreg:$0x6] =	wrdreg s18  }
0xbb: {  	[dreg:$0x7] =	wrdreg $0x2F000  }
0xbc: {  	[dreg:$0x8] =	wrdreg $0x31800  }
0xbd: {  	[dreg:$0x9] =	wrdreg $0x9  }
0xbe: {  	_ =	task.clear_ibuf [dreg:s11], $0xAFFFF;
	_ =	strace $0x90000046  }
0xbf: {  	s29 =	simm.s32 $0x9;
	_ =	strace $0x80000048  }
0xc0: {  	_ =	swait.ge [sflag:s29], $0x1  }
0xc1: {  	[sflag:s29] =	ssyncadd.s32 $0xFFFFFFFF  }
0xc2: {  	_ =	strace $0x90000048  }
0xc3: {  	_ =	sfence  }
0xc4: {  	s30 =	sld [smem:$0x0];
	_ =	sdelay $0x2  }
0xc5: {  	s31 =	sshll.u32 s1, $0xD;
	s1 =	sshrl.u32 s1, $0x2  }
0xc6: {  	s3 =	sand.u32 $0x4000, s31;
	s1 =	sadd.s32 s1, s30  }
0xc7: {  	s0 =	sor.u32 s3, s0;
	s1 =	sshll.u32 s1, $0x11  }
0xc8: {  	s0 =	sor.u32 s1, s0  }
0xc9: {  	s0 =	sadd.s32 $0x8F2B, s0  }
0xca: {  	[sflag:s0] =	ssyncadd.remote.s32 $0x1  }
0xcb: {  	_ =	sfence.sel $0xFFFF  }
0xcc: {  	[dreg:$0x0] =	wrdreg $0xFFFFFFFF;
	(pc) =	sbr.abs _section_cstart, $3  }
0xcd: {  	[dreg:$0x1] =	wrdreg $0xFFFFFFFF  }
0xce: {  	_ =	task.clear_ibuf [dreg:s11], $0x2FFFF;
	_ =	strace $0x9FFFFFFF  }
0xcf: {  	(tm) =	ssettm $0x7FFFFFFF  }
tec
execute0_lowered:
.L_overlay_start_1:
0x0: {  	(tag) =	ssettag $0x1  }
0x1: {  	s13 =	rddreg [dreg:$0x0]  }
0x2: {  	s14 =	rddreg [dreg:$0x1]  }
0x3: {  	s12 =	rddreg [dreg:$0x2]  }
0x4: {  	s11 =	rddreg [dreg:$0x3]  }
0x5: {  	s7 =	rddreg [dreg:$0x4]  }
0x6: {  	s2 =	rddreg [dreg:$0x5]  }
0x7: {  	s3 =	rddreg [dreg:$0x6]  }
0x8: {  	s0 =	rddreg [dreg:$0x7]  }
0x9: {  	s5 =	srdreg.scid;
	s1 =	stileid.u32  }
0xa: {  	s4 =	simm.s32 $0x0;
	s17 =	simm.s32 $0x80;
	s18 =	simm.s32 $0x100  }
0xb: {  	s19 =	simm.s32 $0x50;
	s21 =	simm.s32 $0x2E80;
	s8 =	smul.u32 $0x280, s1  }
0xc: {  	s22 =	simm.s32 $0x0;
	s20 =	sand.u32 $0x1, s5;
	s9 =	smul.u32 $0x4E20, s1  }
0xd: {  	[smem:$0x7FF] =	sst s4;
	s16 =	smul.u32 $0x9C4, s1;
	s5 =	ssub.s32 $0x2, s20  }
0xe: {  	_ =	strace $0x80000047;
	s10 =	smul.u32 $0x2710, s20;
	s6 =	sshrl.u32 s5, $0x1  }
0xf: {  	p0 =	sne.s32 s20, $0x0;
	s20 =	simm.s32 $0x680;
	s15 =	ssub.s32 s5, s6  }
0x10: {  	s5 =	sadd.s32 s8, s2;
	s6 =	sadd.s32 s8, s3;
	s8 =	sshrl.u32 s8, $0x3  }
0x11: {  	s9 =	sadd.s32 s10, s9;
	s10 =	sadd.s32 s16, s14;
	s7 =	sadd.s32 s7, s8  }
0x12: {  	s8 =	smax.u32 s15, $0x1;
	s31 =	sshrl.u32 s9, $0x3;
	s9 =	sadd.s32 s16, s12  }
0x13: {  	s15 =	simm.s32 $0x180;
	s16 =	simm.s32 $0x1;
	s11 =	sadd.s32 s31, s11  }
0x14: {  	v0 =	vimm.f32 $1.000000000e+00;
	s12 =	sadd.s32 s31, s12;
	s13 =	sadd.s32 s31, s13;
	s14 =	sadd.s32 s31, s14  }
.LBB2_1:
0x15: {  	[tilespmem:$0x180] =	vst v0  }
0x16: {  	[tilespmem:$0x190] =	vst v0  }
0x17: {  	[tilespmem:$0x1A0] =	vst v0  }
0x18: {  	[tilespmem:$0x1B0] =	vst v0  }
0x19: {  	[tilespmem:$0x1C0] =	vst v0  }
0x1a: {  	[tilespmem:$0x1D0] =	vst v0  }
0x1b: {  	[tilespmem:$0x1E0] =	vst v0  }
0x1c: {  	[tilespmem:$0x1F0] =	vst v0  }
0x1d: {  	[tilespmem:$0x200] =	vst v0  }
0x1e: {  	[tilespmem:$0x210] =	vst v0  }
0x1f: {  	[tilespmem:$0x220] =	vst v0  }
0x20: {  	[tilespmem:$0x230] =	vst v0  }
0x21: {  	[tilespmem:$0x240] =	vst v0  }
0x22: {  	[tilespmem:$0x250] =	vst v0  }
0x23: {  	[tilespmem:$0x260] =	vst v0  }
0x24: {  	[tilespmem:$0x270] =	vst v0  }
0x25: {  	[tilespmem:$0x280] =	vst v0  }
0x26: {  	[tilespmem:$0x290] =	vst v0  }
0x27: {  	[tilespmem:$0x2A0] =	vst v0  }
0x28: {  	[tilespmem:$0x2B0] =	vst v0  }
0x29: {  	[tilespmem:$0x2C0] =	vst v0  }
0x2a: {  	[tilespmem:$0x2D0] =	vst v0  }
0x2b: {  	[tilespmem:$0x2E0] =	vst v0  }
0x2c: {  	[tilespmem:$0x2F0] =	vst v0  }
0x2d: {  	[tilespmem:$0x300] =	vst v0  }
0x2e: {  	[tilespmem:$0x310] =	vst v0  }
0x2f: {  	[tilespmem:$0x320] =	vst v0  }
0x30: {  	[tilespmem:$0x330] =	vst v0  }
0x31: {  	[tilespmem:$0x340] =	vst v0  }
0x32: {  	[tilespmem:$0x350] =	vst v0  }
0x33: {  	[tilespmem:$0x360] =	vst v0  }
0x34: {  	[tilespmem:$0x370] =	vst v0  }
0x35: {  	[tilespmem:$0x380] =	vst v0  }
0x36: {  	[tilespmem:$0x390] =	vst v0  }
0x37: {  	[tilespmem:$0x3A0] =	vst v0  }
0x38: {  	[tilespmem:$0x3B0] =	vst v0  }
0x39: {  	[tilespmem:$0x3C0] =	vst v0  }
0x3a: {  	[tilespmem:$0x3D0] =	vst v0  }
0x3b: {  	[tilespmem:$0x3E0] =	vst v0  }
0x3c: {  	[tilespmem:$0x3F0] =	vst v0  }
0x3d: {  	[spmem:s5] =	stream.linear.scatter [tilespmem:s15], [sflag:$0x1], $0x280, $0x38;
	[tilespmem:$0x3400] =	vst v63  }
0x3e: {  	_ =	swait.ge [sflag:s16], $0x280  }
0x3f: {  	[sflag:s16] =	ssyncset.done $0x0  }
0x40: {  	[sflag:s16] =	ssyncadd.s32 $0xFFFFFD80  }
0x41: {  	s23 =	sadd.s32 $0x0, s10;
	[bflag:$0x0] =	sbarrier.arrive $0xFFFF  }
0x42: {  	[tilespmem:s17], [sflag:$0x1] =	stream.linear.gather [hbm4b:s23+s4], $0x50, $0x38;
	[tilespmem:$0x3400] =	vst v63  }
0x43: {  	_ =	swait.ge [sflag:s16], $0x50  }
0x44: {  	[sflag:s16] =	ssyncset.done $0x0  }
0x45: {  	s31 =	sadd.s32 $0x0, s9;
	[sflag:s16] =	ssyncadd.s32 $0xFFFFFFB0  }
0x46: {  	[tilespmem:s18], [sflag:$0x1] =	stream.linear.gather [hbm4b:s31+s4], $0x50, $0x38;
	[tilespmem:$0x3400] =	vst v63  }
0x47: {  	_ =	swait.ge [sflag:s16], $0x50  }
0x48: {  	[sflag:s16] =	ssyncset.done $0x0  }
0x49: {  	[sflag:s16] =	ssyncadd.s32 $0xFFFFFFB0  }
0x4a: {  	[spmem:s2] =	stream.indirect.scatter.add.f32 [tilespmem:s18], [sflag:$0x1], $0x1, s17, s19, $0xb8;
	[tilespmem:$0x3400] =	vst v63  }
0x4b: {  	_ =	swait.ge [sflag:s16], $0x50  }
0x4c: {  	s24 =	simm.s32 $0x14;
	s23 =	simm.s32 $0xA;
	[sflag:s16] =	ssyncset.done $0x0  }
.LBB2_2:
0x4d: {  	s25 =	sadd.s32 s23, s10  }
0x4e: {  	[sflag:s16] =	ssyncadd.s32 $0xFFFFFFB0;
	s26 =	smov.u32 s24;
	s28 =	sadd.s32 $0xA, s24  }
0x4f: {  	[tilespmem:s17], [sflag:$0x1] =	stream.linear.gather [hbm4b:s25+s4], $0x50, $0x38;
	[tilespmem:$0x3400] =	vst v63  }
0x50: {  	p1 =	sne.s32 s24, $0x9BA;
	_ =	swait.ge [sflag:s16], $0x50  }
0x51: {  	[sflag:s16] =	ssyncset.done $0x0  }
0x52: {  	s24 =	sadd.s32 s23, s9;
	s23 =	smov.u32 s26;
	[sflag:s16] =	ssyncadd.s32 $0xFFFFFFB0  }
0x53: {  	[tilespmem:s18], [sflag:$0x1] =	stream.linear.gather [hbm4b:s24+s4], $0x50, $0x38;
	[tilespmem:$0x3400] =	vst v63  }
0x54: {  	_ =	swait.ge [sflag:s16], $0x50  }
.Ltmp0:
0x55: {  	[sflag:s16] =	ssyncset.done $0x0;
	(pc) =	sbr.rel @p1 .LBB2_2-.Ltmp0, $4  }
0x56: {  	[sflag:s16] =	ssyncadd.s32 $0xFFFFFFB0  }
0x57: {  	[spmem:s2] =	stream.indirect.scatter.add.f32 [tilespmem:s18], [sflag:$0x1], $0x1, s17, s19, $0xb8;
	[tilespmem:$0x3400] =	vst v63  }
0x58: {  	_ =	swait.ge [sflag:s16], $0x50  }
0x59: {  	s24 =	smov.u32 s28;
	[sflag:s16] =	ssyncset.done $0x0  }
0x5a: {  	s24 =	sadd.s32 s23, s10;
	[sflag:s16] =	ssyncadd.s32 $0xFFFFFFB0  }
0x5b: {  	[tilespmem:s17], [sflag:$0x1] =	stream.linear.gather [hbm4b:s24+s4], $0x50, $0x38;
	[tilespmem:$0x3400] =	vst v63  }
0x5c: {  	_ =	swait.ge [sflag:s16], $0x50  }
0x5d: {  	[sflag:s16] =	ssyncset.done $0x0  }
0x5e: {  	s31 =	sadd.s32 s23, s9;
	[sflag:s16] =	ssyncadd.s32 $0xFFFFFFB0  }
0x5f: {  	[tilespmem:s18], [sflag:$0x1] =	stream.linear.gather [hbm4b:s31+s4], $0x50, $0x38;
	[tilespmem:$0x3400] =	vst v63  }
0x60: {  	_ =	swait.ge [sflag:s16], $0x50  }
0x61: {  	[sflag:s16] =	ssyncset.done $0x0  }
0x62: {  	[sflag:s16] =	ssyncadd.s32 $0xFFFFFFB0  }
0x63: {  	[spmem:s2] =	stream.indirect.scatter.add.f32 [tilespmem:s18], [sflag:$0x1], $0x1, s17, s19, $0xb8;
	[tilespmem:$0x3400] =	vst v63  }
0x64: {  	_ =	swait.ge [sflag:s16], $0x50  }
0x65: {  	[sflag:s16] =	ssyncset.done $0x0  }
0x66: {  	[sflag:s16] =	ssyncadd.s32 $0xFFFFFFB0  }
0x67: {  	[bflag:$0x0] =	sbarrier.arrive $0xFFFF  }
0x68: {  	[tilespmem:s15], [sflag:$0x1] =	stream.linear.gather [spmem:s5], $0x280, $0x38;
	[tilespmem:$0x3400] =	vst v63  }
0x69: {  	_ =	swait.ge [sflag:s16], $0x280  }
0x6a: {  	[sflag:s16] =	ssyncset.done $0x0  }
0x6b: {  	s23 =	simm.s32 $0x1A0;
	[sflag:s16] =	ssyncadd.s32 $0xFFFFFD80  }
0x6c: {  	v1 =	vld [tilespmem:s23+$0xFFFFFFE0];
	_ =	sdelay $0x4  }
0x6d: {  	v2 =	vshrl.u32 v1, $0x1;
	v1 =	vmul.f32 $5.000000000e-01, v1  }
0x6e: {  	v2 =	vsub.s32 $0x5F3759DF, v2  }
0x6f: {  	v3 =	vmul.f32 v2, v1;
	_ =	sdelay $0x1  }
0x70: {  	v3 =	vmul.f32 v2, v3;
	_ =	sdelay $0x1  }
0x71: {  	v3 =	vsub.f32 $1.500000000e+00, v3;
	_ =	sdelay $0x1  }
0x72: {  	v2 =	vmul.f32 v2, v3;
	_ =	sdelay $0x1  }
0x73: {  	v3 =	vmul.f32 v2, v1;
	_ =	sdelay $0x1  }
0x74: {  	v3 =	vmul.f32 v3, v2;
	_ =	sdelay $0x1  }
0x75: {  	v3 =	vsub.f32 $1.500000000e+00, v3;
	_ =	sdelay $0x1  }
0x76: {  	v2 =	vmul.f32 v3, v2;
	_ =	sdelay $0x1  }
0x77: {  	v3 =	vmul.f32 v2, v1;
	_ =	sdelay $0x1  }
0x78: {  	v3 =	vmul.f32 v3, v2;
	_ =	sdelay $0x1  }
0x79: {  	v3 =	vsub.f32 $1.500000000e+00, v3;
	_ =	sdelay $0x1  }
0x7a: {  	v2 =	vmul.f32 v3, v2;
	_ =	sdelay $0x1  }
0x7b: {  	v1 =	vmul.f32 v2, v1;
	_ =	sdelay $0x1  }
0x7c: {  	v1 =	vmul.f32 v1, v2;
	_ =	sdelay $0x1  }
0x7d: {  	v1 =	vsub.f32 $1.500000000e+00, v1;
	_ =	sdelay $0x1  }
0x7e: {  	v1 =	vmul.f32 v1, v2;
	_ =	sdelay $0x1  }
0x7f: {  	v2 =	vmul.f32 v1, v1  }
0x80: {  	s24 =	simm.s32 $0x420;
	[tilespmem:s23+$0xFFFFFFE0] =	vst v1  }
0x81: {  	[tilespmem:s24+$0xFFFFFFE0] =	vst v2  }
0x82: {  	v1 =	vld [tilespmem:s23+$0xFFFFFFF0];
	_ =	sdelay $0x4  }
0x83: {  	v2 =	vshrl.u32 v1, $0x1;
	v1 =	vmul.f32 $5.000000000e-01, v1  }
0x84: {  	v2 =	vsub.s32 $0x5F3759DF, v2  }
0x85: {  	v3 =	vmul.f32 v2, v1;
	_ =	sdelay $0x1  }
0x86: {  	v3 =	vmul.f32 v2, v3;
	_ =	sdelay $0x1  }
0x87: {  	v3 =	vsub.f32 $1.500000000e+00, v3;
	_ =	sdelay $0x1  }
0x88: {  	v2 =	vmul.f32 v2, v3;
	_ =	sdelay $0x1  }
0x89: {  	v3 =	vmul.f32 v2, v1;
	_ =	sdelay $0x1  }
0x8a: {  	v3 =	vmul.f32 v3, v2;
	_ =	sdelay $0x1  }
0x8b: {  	v3 =	vsub.f32 $1.500000000e+00, v3;
	_ =	sdelay $0x1  }
0x8c: {  	v2 =	vmul.f32 v3, v2;
	_ =	sdelay $0x1  }
0x8d: {  	v3 =	vmul.f32 v2, v1;
	_ =	sdelay $0x1  }
0x8e: {  	v3 =	vmul.f32 v3, v2;
	_ =	sdelay $0x1  }
0x8f: {  	v3 =	vsub.f32 $1.500000000e+00, v3;
	_ =	sdelay $0x1  }
0x90: {  	v2 =	vmul.f32 v3, v2;
	_ =	sdelay $0x1  }
0x91: {  	v1 =	vmul.f32 v2, v1;
	_ =	sdelay $0x1  }
0x92: {  	v1 =	vmul.f32 v1, v2;
	_ =	sdelay $0x1  }
0x93: {  	v1 =	vsub.f32 $1.500000000e+00, v1;
	_ =	sdelay $0x1  }
0x94: {  	v1 =	vmul.f32 v1, v2;
	_ =	sdelay $0x1  }
0x95: {  	v2 =	vmul.f32 v1, v1  }
0x96: {  	[tilespmem:s23+$0xFFFFFFF0] =	vst v1  }
0x97: {  	[tilespmem:s24+$0xFFFFFFF0] =	vst v2  }
0x98: {  	v1 =	vld [tilespmem:s23+$0x0];
	_ =	sdelay $0x4  }
0x99: {  	v2 =	vshrl.u32 v1, $0x1;
	v1 =	vmul.f32 $5.000000000e-01, v1  }
0x9a: {  	v2 =	vsub.s32 $0x5F3759DF, v2  }
0x9b: {  	v3 =	vmul.f32 v2, v1;
	_ =	sdelay $0x1  }
0x9c: {  	v3 =	vmul.f32 v2, v3;
	_ =	sdelay $0x1  }
0x9d: {  	v3 =	vsub.f32 $1.500000000e+00, v3;
	_ =	sdelay $0x1  }
0x9e: {  	v2 =	vmul.f32 v2, v3;
	_ =	sdelay $0x1  }
0x9f: {  	v3 =	vmul.f32 v2, v1;
	_ =	sdelay $0x1  }
0xa0: {  	v3 =	vmul.f32 v3, v2;
	_ =	sdelay $0x1  }
0xa1: {  	v3 =	vsub.f32 $1.500000000e+00, v3;
	_ =	sdelay $0x1  }
0xa2: {  	v2 =	vmul.f32 v3, v2;
	_ =	sdelay $0x1  }
0xa3: {  	v3 =	vmul.f32 v2, v1;
	_ =	sdelay $0x1  }
0xa4: {  	v3 =	vmul.f32 v3, v2;
	_ =	sdelay $0x1  }
0xa5: {  	v3 =	vsub.f32 $1.500000000e+00, v3;
	_ =	sdelay $0x1  }
0xa6: {  	v2 =	vmul.f32 v3, v2;
	_ =	sdelay $0x1  }
0xa7: {  	v1 =	vmul.f32 v2, v1;
	_ =	sdelay $0x1  }
0xa8: {  	v1 =	vmul.f32 v1, v2;
	_ =	sdelay $0x1  }
0xa9: {  	v1 =	vsub.f32 $1.500000000e+00, v1;
	_ =	sdelay $0x1  }
0xaa: {  	v1 =	vmul.f32 v1, v2;
	_ =	sdelay $0x1  }
0xab: {  	v2 =	vmul.f32 v1, v1  }
0xac: {  	[tilespmem:s23+$0x0] =	vst v1  }
0xad: {  	[tilespmem:s24+$0x0] =	vst v2  }
0xae: {  	v1 =	vld [tilespmem:s23+$0x10];
	_ =	sdelay $0x4  }
0xaf: {  	v2 =	vshrl.u32 v1, $0x1;
	v1 =	vmul.f32 $5.000000000e-01, v1  }
0xb0: {  	v2 =	vsub.s32 $0x5F3759DF, v2  }
0xb1: {  	v3 =	vmul.f32 v2, v1;
	_ =	sdelay $0x1  }
0xb2: {  	v3 =	vmul.f32 v2, v3;
	_ =	sdelay $0x1  }
0xb3: {  	v3 =	vsub.f32 $1.500000000e+00, v3;
	_ =	sdelay $0x1  }
0xb4: {  	v2 =	vmul.f32 v2, v3;
	_ =	sdelay $0x1  }
0xb5: {  	v3 =	vmul.f32 v2, v1;
	_ =	sdelay $0x1  }
0xb6: {  	v3 =	vmul.f32 v3, v2;
	_ =	sdelay $0x1  }
0xb7: {  	v3 =	vsub.f32 $1.500000000e+00, v3;
	_ =	sdelay $0x1  }
0xb8: {  	v2 =	vmul.f32 v3, v2;
	_ =	sdelay $0x1  }
0xb9: {  	v3 =	vmul.f32 v2, v1;
	_ =	sdelay $0x1  }
0xba: {  	v3 =	vmul.f32 v3, v2;
	_ =	sdelay $0x1  }
0xbb: {  	v3 =	vsub.f32 $1.500000000e+00, v3;
	_ =	sdelay $0x1  }
0xbc: {  	v2 =	vmul.f32 v3, v2;
	_ =	sdelay $0x1  }
0xbd: {  	v1 =	vmul.f32 v2, v1;
	_ =	sdelay $0x1  }
0xbe: {  	v1 =	vmul.f32 v1, v2;
	_ =	sdelay $0x1  }
0xbf: {  	v1 =	vsub.f32 $1.500000000e+00, v1;
	_ =	sdelay $0x1  }
0xc0: {  	v1 =	vmul.f32 v1, v2;
	_ =	sdelay $0x1  }
0xc1: {  	s25 =	simm.s32 $0x0;
	[tilespmem:s23+$0x10] =	vst v1;
	v1 =	vmul.f32 v1, v1  }
.LBB2_4:
0xc2: {  	_ = 	snop  }
0xc3: {  	s25 =	sadd.s32 $0x4, s25;
	s23 =	sadd.s32 $0x40, s23;
	[tilespmem:s24+$0x10] =	vst v1;
	s24 =	sadd.s32 $0x40, s24  }
0xc4: {  	p1 =	slt.u32 s25, $0x24;
	v1 =	vld [tilespmem:s23+$0xFFFFFFE0];
	_ =	sdelay $0x4  }
0xc5: {  	v2 =	vshrl.u32 v1, $0x1;
	v1 =	vmul.f32 $5.000000000e-01, v1  }
0xc6: {  	v2 =	vsub.s32 $0x5F3759DF, v2  }
0xc7: {  	v3 =	vmul.f32 v2, v1;
	_ =	sdelay $0x1  }
0xc8: {  	v3 =	vmul.f32 v2, v3;
	_ =	sdelay $0x1  }
0xc9: {  	v3 =	vsub.f32 $1.500000000e+00, v3;
	_ =	sdelay $0x1  }
0xca: {  	v2 =	vmul.f32 v2, v3;
	_ =	sdelay $0x1  }
0xcb: {  	v3 =	vmul.f32 v2, v1;
	_ =	sdelay $0x1  }
0xcc: {  	v3 =	vmul.f32 v3, v2;
	_ =	sdelay $0x1  }
0xcd: {  	v3 =	vsub.f32 $1.500000000e+00, v3;
	_ =	sdelay $0x1  }
0xce: {  	v2 =	vmul.f32 v3, v2;
	_ =	sdelay $0x1  }
0xcf: {  	v3 =	vmul.f32 v2, v1;
	_ =	sdelay $0x1  }
0xd0: {  	v3 =	vmul.f32 v3, v2;
	_ =	sdelay $0x1  }
0xd1: {  	v3 =	vsub.f32 $1.500000000e+00, v3;
	_ =	sdelay $0x1  }
0xd2: {  	v2 =	vmul.f32 v3, v2;
	_ =	sdelay $0x1  }
0xd3: {  	v1 =	vmul.f32 v2, v1;
	_ =	sdelay $0x1  }
0xd4: {  	v1 =	vmul.f32 v1, v2;
	_ =	sdelay $0x1  }
0xd5: {  	v1 =	vsub.f32 $1.500000000e+00, v1;
	_ =	sdelay $0x1  }
0xd6: {  	v1 =	vmul.f32 v1, v2;
	_ =	sdelay $0x1  }
0xd7: {  	v2 =	vmul.f32 v1, v1  }
0xd8: {  	[tilespmem:s23+$0xFFFFFFE0] =	vst v1  }
0xd9: {  	[tilespmem:s24+$0xFFFFFFE0] =	vst v2  }
0xda: {  	v1 =	vld [tilespmem:s23+$0xFFFFFFF0];
	_ =	sdelay $0x4  }
0xdb: {  	v2 =	vshrl.u32 v1, $0x1;
	v1 =	vmul.f32 $5.000000000e-01, v1  }
0xdc: {  	v2 =	vsub.s32 $0x5F3759DF, v2  }
0xdd: {  	v3 =	vmul.f32 v2, v1;
	_ =	sdelay $0x1  }
0xde: {  	v3 =	vmul.f32 v2, v3;
	_ =	sdelay $0x1  }
0xdf: {  	v3 =	vsub.f32 $1.500000000e+00, v3;
	_ =	sdelay $0x1  }
0xe0: {  	v2 =	vmul.f32 v2, v3;
	_ =	sdelay $0x1  }
0xe1: {  	v3 =	vmul.f32 v2, v1;
	_ =	sdelay $0x1  }
0xe2: {  	v3 =	vmul.f32 v3, v2;
	_ =	sdelay $0x1  }
0xe3: {  	v3 =	vsub.f32 $1.500000000e+00, v3;
	_ =	sdelay $0x1  }
0xe4: {  	v2 =	vmul.f32 v3, v2;
	_ =	sdelay $0x1  }
0xe5: {  	v3 =	vmul.f32 v2, v1;
	_ =	sdelay $0x1  }
0xe6: {  	v3 =	vmul.f32 v3, v2;
	_ =	sdelay $0x1  }
0xe7: {  	v3 =	vsub.f32 $1.500000000e+00, v3;
	_ =	sdelay $0x1  }
0xe8: {  	v2 =	vmul.f32 v3, v2;
	_ =	sdelay $0x1  }
0xe9: {  	v1 =	vmul.f32 v2, v1;
	_ =	sdelay $0x1  }
0xea: {  	v1 =	vmul.f32 v1, v2;
	_ =	sdelay $0x1  }
0xeb: {  	v1 =	vsub.f32 $1.500000000e+00, v1;
	_ =	sdelay $0x1  }
0xec: {  	v1 =	vmul.f32 v1, v2;
	_ =	sdelay $0x1  }
0xed: {  	v2 =	vmul.f32 v1, v1  }
0xee: {  	[tilespmem:s23+$0xFFFFFFF0] =	vst v1  }
0xef: {  	[tilespmem:s24+$0xFFFFFFF0] =	vst v2  }
0xf0: {  	v1 =	vld [tilespmem:s23+$0x0];
	_ =	sdelay $0x4  }
0xf1: {  	v2 =	vshrl.u32 v1, $0x1;
	v1 =	vmul.f32 $5.000000000e-01, v1  }
0xf2: {  	v2 =	vsub.s32 $0x5F3759DF, v2  }
0xf3: {  	v3 =	vmul.f32 v2, v1;
	_ =	sdelay $0x1  }
0xf4: {  	v3 =	vmul.f32 v2, v3;
	_ =	sdelay $0x1  }
0xf5: {  	v3 =	vsub.f32 $1.500000000e+00, v3;
	_ =	sdelay $0x1  }
0xf6: {  	v2 =	vmul.f32 v2, v3;
	_ =	sdelay $0x1  }
0xf7: {  	v3 =	vmul.f32 v2, v1;
	_ =	sdelay $0x1  }
0xf8: {  	v3 =	vmul.f32 v3, v2;
	_ =	sdelay $0x1  }
0xf9: {  	v3 =	vsub.f32 $1.500000000e+00, v3;
	_ =	sdelay $0x1  }
0xfa: {  	v2 =	vmul.f32 v3, v2;
	_ =	sdelay $0x1  }
0xfb: {  	v3 =	vmul.f32 v2, v1;
	_ =	sdelay $0x1  }
0xfc: {  	v3 =	vmul.f32 v3, v2;
	_ =	sdelay $0x1  }
0xfd: {  	v3 =	vsub.f32 $1.500000000e+00, v3;
	_ =	sdelay $0x1  }
0xfe: {  	v2 =	vmul.f32 v3, v2;
	_ =	sdelay $0x1  }
0xff: {  	v1 =	vmul.f32 v2, v1;
	_ =	sdelay $0x1  }
0x100: {  	v1 =	vmul.f32 v1, v2;
	_ =	sdelay $0x1  }
0x101: {  	v1 =	vsub.f32 $1.500000000e+00, v1;
	_ =	sdelay $0x1  }
0x102: {  	v1 =	vmul.f32 v1, v2;
	_ =	sdelay $0x1  }
0x103: {  	[tilespmem:s23+$0x0] =	vst v1;
	v1 =	vmul.f32 v1, v1;
	_ =	sdelay $0x1  }
0x104: {  	[tilespmem:s24+$0x0] =	vst v1  }
0x105: {  	v1 =	vld [tilespmem:s23+$0x10];
	_ =	sdelay $0x4  }
0x106: {  	v2 =	vshrl.u32 v1, $0x1;
	v1 =	vmul.f32 $5.000000000e-01, v1  }
0x107: {  	v2 =	vsub.s32 $0x5F3759DF, v2  }
0x108: {  	v3 =	vmul.f32 v2, v1;
	_ =	sdelay $0x1  }
0x109: {  	v3 =	vmul.f32 v2, v3;
	_ =	sdelay $0x1  }
0x10a: {  	v3 =	vsub.f32 $1.500000000e+00, v3;
	_ =	sdelay $0x1  }
0x10b: {  	v2 =	vmul.f32 v2, v3;
	_ =	sdelay $0x1  }
0x10c: {  	v3 =	vmul.f32 v2, v1;
	_ =	sdelay $0x1  }
0x10d: {  	v3 =	vmul.f32 v3, v2;
	_ =	sdelay $0x1  }
0x10e: {  	v3 =	vsub.f32 $1.500000000e+00, v3;
	_ =	sdelay $0x1  }
0x10f: {  	v2 =	vmul.f32 v3, v2;
	_ =	sdelay $0x1  }
0x110: {  	v3 =	vmul.f32 v2, v1;
	_ =	sdelay $0x1  }
0x111: {  	v3 =	vmul.f32 v3, v2;
	_ =	sdelay $0x1  }
0x112: {  	v3 =	vsub.f32 $1.500000000e+00, v3;
	_ =	sdelay $0x1  }
0x113: {  	v2 =	vmul.f32 v3, v2;
	_ =	sdelay $0x1  }
0x114: {  	v1 =	vmul.f32 v2, v1;
	_ =	sdelay $0x1  }
0x115: {  	v1 =	vmul.f32 v1, v2;
	_ =	sdelay $0x1  }
.Ltmp1:
0x116: {  	v1 =	vsub.f32 $1.500000000e+00, v1;
	(pc) =	sbr.rel @p1 .LBB2_4-.Ltmp1, $3  }
0x117: {  	_ = 	snop  }
0x118: {  	v1 =	vmul.f32 v1, v2;
	_ =	sdelay $0x1  }
0x119: {  	[tilespmem:s23+$0x10] =	vst v1;
	v1 =	vmul.f32 v1, v1  }
0x11a: {  	_ = 	snop  }
0x11b: {  	[tilespmem:s24+$0x10] =	vst v1  }
0x11c: {  	[spmem:s6] =	stream.linear.scatter [tilespmem:s15], [sflag:$0x1], $0x280, $0x38;
	[tilespmem:$0x3400] =	vst v63  }
0x11d: {  	_ =	swait.ge [sflag:s16], $0x280  }
0x11e: {  	[sflag:s16] =	ssyncset.done $0x0  }
0x11f: {  	s23 =	simm.s32 @!p0 $0x0;
	s24 =	simm.s32 @!p0 $0x400;
	[sflag:s16] =	ssyncadd.s32 $0xFFFFFD80  }
0x120: {  	[hbm4b:s7+s23] =	stream.linear.scatter @!p0 [tilespmem:s24], [sflag:$0x1], $0x280, $0x38;
	[tilespmem:$0x3400] =	vst v63  }
0x121: {  	s23 =	simm.s32 @!p0 $0x1  }
0x122: {  	_ =	swait.ge @!p0 [sflag:s23], $0x280  }
0x123: {  	[sflag:s23] =	ssyncset.done @!p0 $0x0  }
0x124: {  	[sflag:s23] =	ssyncadd.s32 @!p0 $0xFFFFFD80  }
0x125: {  	[bflag:$0x0] =	sbarrier.arrive $0xFFFF  }
0x126: {  	[tilespmem:s20], [sflag:$0x1] =	stream.linear.gather [spmem:s3], $0x2800, $0x38;
	[tilespmem:$0x3400] =	vst v63  }
0x127: {  	_ =	swait.ge [sflag:s16], $0x2800  }
0x128: {  	[sflag:s16] =	ssyncset.done $0x0  }
0x129: {  	s28 =	sadd.s32 $0x0, s14;
	[sflag:s16] =	ssyncadd.s32 $0xFFFFD800  }
0x12a: {  	[tilespmem:s17], [sflag:$0x1] =	stream.linear.gather [hbm4b:s28+s4], $0x50, $0x38;
	[tilespmem:$0x3400] =	vst v63  }
0x12b: {  	_ =	swait.ge [sflag:s16], $0x50  }
0x12c: {  	[sflag:s16] =	ssyncset.done $0x0  }
0x12d: {  	s29 =	sadd.s32 $0x0, s13;
	[sflag:s16] =	ssyncadd.s32 $0xFFFFFFB0  }
0x12e: {  	[tilespmem:s4], [sflag:$0x1] =	stream.linear.gather [hbm4b:s29+s4], $0x50, $0x38;
	[tilespmem:$0x3400] =	vst v63  }
0x12f: {  	_ =	swait.ge [sflag:s16], $0x50  }
0x130: {  	[sflag:s16] =	ssyncset.done $0x0  }
0x131: {  	s30 =	sadd.s32 $0x0, s12;
	[sflag:s16] =	ssyncadd.s32 $0xFFFFFFB0  }
0x132: {  	[tilespmem:s18], [sflag:$0x1] =	stream.linear.gather [hbm4b:s30+s4], $0x50, $0x38;
	[tilespmem:$0x3400] =	vst v63  }
0x133: {  	_ =	swait.ge [sflag:s16], $0x50  }
0x134: {  	[sflag:s16] =	ssyncset.done $0x0  }
0x135: {  	[sflag:s16] =	ssyncadd.s32 $0xFFFFFFB0  }
0x136: {  	v1 =	vld [tilespmem:$0x0];
	_ =	sdelay $0x1  }
0x137: {  	v2 =	vld [tilespmem:$0x80];
	_ =	sdelay $0x4  }
0x138: {  	v3 =	vld [tilespmem:$0x100]  }
0x139: {  	v1 =	vld.idx.msk [tilespmem:v1+s20+$0x0], $0xffff  }
0x13a: {  	v4 =	vld [tilespmem:$0x10]  }
0x13b: {  	v2 =	vld.idx.msk [tilespmem:v2+s20+$0x0], $0xffff;
	_ =	sdelay $0x1  }
0x13c: {  	v5 =	vld [tilespmem:$0x90]  }
0x13d: {  	v1 =	vmul.f32 v1, v3;
	_ =	sdelay $0x1  }
0x13e: {  	v1 =	vmul.f32 v2, v1;
	_ =	sdelay $0x1  }
0x13f: {  	v2 =	vld [tilespmem:$0x110];
	[tilespmem:$0x2E80] =	vst v1  }
0x140: {  	v1 =	vld.idx.msk [tilespmem:v4+s20+$0x0], $0xffff  }
0x141: {  	v58 =	vld [tilespmem:$0x20]  }
0x142: {  	v3 =	vld.idx.msk [tilespmem:v5+s20+$0x0], $0xffff;
	_ =	sdelay $0x1  }
0x143: {  	v59 =	vld [tilespmem:$0xA0]  }
0x144: {  	v1 =	vmul.f32 v1, v2;
	_ =	sdelay $0x1  }
0x145: {  	v1 =	vmul.f32 v3, v1;
	_ =	sdelay $0x1  }
0x146: {  	v2 =	vld [tilespmem:$0x120];
	[tilespmem:$0x2E90] =	vst v1  }
0x147: {  	v1 =	vld.idx.msk [tilespmem:v58+s20+$0x0], $0xffff  }
0x148: {  	v60 =	vld [tilespmem:$0x30]  }
0x149: {  	v3 =	vld.idx.msk [tilespmem:v59+s20+$0x0], $0xffff;
	_ =	sdelay $0x1  }
0x14a: {  	v61 =	vld [tilespmem:$0xB0]  }
0x14b: {  	v1 =	vmul.f32 v1, v2;
	_ =	sdelay $0x1  }
0x14c: {  	v1 =	vmul.f32 v3, v1;
	_ =	sdelay $0x1  }
0x14d: {  	[tilespmem:$0x2EA0] =	vst v1;
	v1 =	vld [tilespmem:$0x130]  }
0x14e: {  	v2 =	vld.idx.msk [tilespmem:v60+s20+$0x0], $0xffff  }
0x14f: {  	v62 =	vld [tilespmem:$0x40]  }
0x150: {  	v3 =	vld.idx.msk [tilespmem:v61+s20+$0x0], $0xffff;
	_ =	sdelay $0x1  }
0x151: {  	v63 =	vld [tilespmem:$0xC0]  }
0x152: {  	v1 =	vmul.f32 v2, v1;
	_ =	sdelay $0x1  }
0x153: {  	v1 =	vmul.f32 v3, v1;
	_ =	sdelay $0x1  }
0x154: {  	[tilespmem:$0x2EB0] =	vst v1;
	v1 =	vld [tilespmem:$0x140]  }
0x155: {  	v2 =	vld.idx.msk [tilespmem:v62+s20+$0x0], $0xffff;
	_ =	sdelay $0x1  }
0x156: {  	v3 =	vld.idx.msk [tilespmem:v63+s20+$0x0], $0xffff;
	_ =	sdelay $0x2  }
0x157: {  	v1 =	vmul.f32 v2, v1;
	_ =	sdelay $0x1  }
0x158: {  	v1 =	vmul.f32 v3, v1;
	_ =	sdelay $0x1  }
0x159: {  	s31 =	sadd.s32 $0x0, s11;
	[tilespmem:$0x2EC0] =	vst v1  }
0x15a: {  	[hbm4b:s31+s4] =	stream.linear.scatter [tilespmem:s21], [sflag:$0x1], $0x50, $0x38;
	[tilespmem:$0x3400] =	vst v63  }
0x15b: {  	_ =	swait.ge [sflag:s16], $0x50  }
0x15c: {  	s26 =	simm.s32 $0x14;
	s23 =	simm.s32 $0xA;
	[sflag:s16] =	ssyncset.done $0x0  }
.LBB2_6:
0x15d: {  	s28 =	sadd.s32 s23, s14  }
0x15e: {  	[sflag:s16] =	ssyncadd.s32 $0xFFFFFFB0;
	s25 =	smov.u32 s26;
	s24 =	sadd.s32 $0xA, s26  }
0x15f: {  	[tilespmem:s17], [sflag:$0x1] =	stream.linear.gather [hbm4b:s28+s4], $0x50, $0x38;
	[tilespmem:$0x3400] =	vst v63  }
0x160: {  	p1 =	sne.s32 s26, $0x4D8;
	_ =	swait.ge [sflag:s16], $0x50  }
0x161: {  	[sflag:s16] =	ssyncset.done $0x0  }
0x162: {  	s26 =	sadd.s32 s23, s13;
	[sflag:s16] =	ssyncadd.s32 $0xFFFFFFB0  }
0x163: {  	[tilespmem:s4], [sflag:$0x1] =	stream.linear.gather [hbm4b:s26+s4], $0x50, $0x38;
	[tilespmem:$0x3400] =	vst v63  }
0x164: {  	_ =	swait.ge [sflag:s16], $0x50  }
0x165: {  	[sflag:s16] =	ssyncset.done $0x0  }
0x166: {  	s26 =	sadd.s32 s23, s12;
	[sflag:s16] =	ssyncadd.s32 $0xFFFFFFB0  }
0x167: {  	[tilespmem:s18], [sflag:$0x1] =	stream.linear.gather [hbm4b:s26+s4], $0x50, $0x38;
	[tilespmem:$0x3400] =	vst v63  }
0x168: {  	_ =	swait.ge [sflag:s16], $0x50  }
0x169: {  	[sflag:s16] =	ssyncset.done $0x0  }
0x16a: {  	[sflag:s16] =	ssyncadd.s32 $0xFFFFFFB0  }
0x16b: {  	v1 =	vld [tilespmem:$0x0]  }
0x16c: {  	v2 =	vld [tilespmem:$0x80];
	_ =	sdelay $0x6  }
0x16d: {  	v1 =	vld.idx.msk [tilespmem:v1+s20+$0x0], $0xffff  }
0x16e: {  	v3 =	vld [tilespmem:$0x100]  }
0x16f: {  	v2 =	vld.idx.msk [tilespmem:v2+s20+$0x0], $0xffff  }
0x170: {  	v4 =	vld [tilespmem:$0x10];
	_ =	sdelay $0x1  }
0x171: {  	v5 =	vld [tilespmem:$0x90]  }
0x172: {  	v1 =	vmul.f32 v1, v3;
	_ =	sdelay $0x1  }
0x173: {  	v1 =	vmul.f32 v2, v1;
	_ =	sdelay $0x1  }
0x174: {  	[tilespmem:$0x2E80] =	vst v1  }
0x175: {  	v1 =	vld.idx.msk [tilespmem:v4+s20+$0x0], $0xffff  }
0x176: {  	v2 =	vld [tilespmem:$0x110]  }
0x177: {  	v3 =	vld.idx.msk [tilespmem:v5+s20+$0x0], $0xffff  }
0x178: {  	v4 =	vld [tilespmem:$0x20];
	_ =	sdelay $0x1  }
0x179: {  	v5 =	vld [tilespmem:$0xA0]  }
0x17a: {  	v1 =	vmul.f32 v1, v2;
	_ =	sdelay $0x1  }
0x17b: {  	v1 =	vmul.f32 v3, v1;
	_ =	sdelay $0x1  }
0x17c: {  	[tilespmem:$0x2E90] =	vst v1  }
0x17d: {  	v1 =	vld.idx.msk [tilespmem:v4+s20+$0x0], $0xffff  }
0x17e: {  	v2 =	vld [tilespmem:$0x120]  }
0x17f: {  	v3 =	vld.idx.msk [tilespmem:v5+s20+$0x0], $0xffff  }
0x180: {  	v4 =	vld [tilespmem:$0x30]  }
0x181: {  	v5 =	vld [tilespmem:$0xB0];
	_ =	sdelay $0x1  }
0x182: {  	v1 =	vmul.f32 v1, v2;
	_ =	sdelay $0x1  }
0x183: {  	v1 =	vmul.f32 v3, v1;
	_ =	sdelay $0x1  }
0x184: {  	[tilespmem:$0x2EA0] =	vst v1;
	v1 =	vld [tilespmem:$0x130]  }
0x185: {  	v2 =	vld.idx.msk [tilespmem:v4+s20+$0x0], $0xffff  }
0x186: {  	v3 =	vld.idx.msk [tilespmem:v5+s20+$0x0], $0xffff;
	_ =	sdelay $0x1  }
0x187: {  	v4 =	vld [tilespmem:$0x40]  }
0x188: {  	v5 =	vld [tilespmem:$0xC0];
	_ =	sdelay $0x1  }
0x189: {  	v1 =	vmul.f32 v2, v1;
	_ =	sdelay $0x1  }
0x18a: {  	v1 =	vmul.f32 v3, v1;
	_ =	sdelay $0x1  }
0x18b: {  	[tilespmem:$0x2EB0] =	vst v1;
	v1 =	vld [tilespmem:$0x140]  }
0x18c: {  	v2 =	vld.idx.msk [tilespmem:v4+s20+$0x0], $0xffff  }
0x18d: {  	v3 =	vld.idx.msk [tilespmem:v5+s20+$0x0], $0xffff;
	_ =	sdelay $0x4  }
0x18e: {  	v1 =	vmul.f32 v2, v1;
	_ =	sdelay $0x1  }
0x18f: {  	v1 =	vmul.f32 v3, v1  }
.Ltmp2:
0x190: {  	(pc) =	sbr.rel @p1 .LBB2_6-.Ltmp2, $4  }
0x191: {  	s26 =	sadd.s32 s23, s11;
	s23 =	smov.u32 s25;
	[tilespmem:$0x2EC0] =	vst v1  }
0x192: {  	[hbm4b:s26+s4] =	stream.linear.scatter [tilespmem:s21], [sflag:$0x1], $0x50, $0x38;
	[tilespmem:$0x3400] =	vst v63  }
0x193: {  	_ =	swait.ge [sflag:s16], $0x50  }
0x194: {  	s26 =	smov.u32 s24;
	[sflag:s16] =	ssyncset.done $0x0  }
0x195: {  	s24 =	sadd.s32 s23, s14;
	[sflag:s16] =	ssyncadd.s32 $0xFFFFFFB0  }
0x196: {  	[tilespmem:s17], [sflag:$0x1] =	stream.linear.gather [hbm4b:s24+s4], $0x50, $0x38;
	[tilespmem:$0x3400] =	vst v63  }
0x197: {  	_ =	swait.ge [sflag:s16], $0x50  }
0x198: {  	[sflag:s16] =	ssyncset.done $0x0  }
0x199: {  	s29 =	sadd.s32 s23, s13;
	[sflag:s16] =	ssyncadd.s32 $0xFFFFFFB0  }
0x19a: {  	[tilespmem:s4], [sflag:$0x1] =	stream.linear.gather [hbm4b:s29+s4], $0x50, $0x38;
	[tilespmem:$0x3400] =	vst v63  }
0x19b: {  	_ =	swait.ge [sflag:s16], $0x50  }
0x19c: {  	[sflag:s16] =	ssyncset.done $0x0  }
0x19d: {  	s30 =	sadd.s32 s23, s12;
	[sflag:s16] =	ssyncadd.s32 $0xFFFFFFB0  }
0x19e: {  	[tilespmem:s18], [sflag:$0x1] =	stream.linear.gather [hbm4b:s30+s4], $0x50, $0x38;
	[tilespmem:$0x3400] =	vst v63  }
0x19f: {  	_ =	swait.ge [sflag:s16], $0x50  }
0x1a0: {  	[sflag:s16] =	ssyncset.done $0x0  }
0x1a1: {  	[sflag:s16] =	ssyncadd.s32 $0xFFFFFFB0  }
0x1a2: {  	v1 =	vld [tilespmem:$0x0];
	_ =	sdelay $0x1  }
0x1a3: {  	v2 =	vld [tilespmem:$0x80];
	_ =	sdelay $0x4  }
0x1a4: {  	v3 =	vld [tilespmem:$0x100]  }
0x1a5: {  	v1 =	vld.idx.msk [tilespmem:v1+s20+$0x0], $0xffff  }
0x1a6: {  	v4 =	vld [tilespmem:$0x10]  }
0x1a7: {  	v2 =	vld.idx.msk [tilespmem:v2+s20+$0x0], $0xffff;
	_ =	sdelay $0x1  }
0x1a8: {  	v5 =	vld [tilespmem:$0x90]  }
0x1a9: {  	v1 =	vmul.f32 v1, v3;
	_ =	sdelay $0x1  }
0x1aa: {  	v1 =	vmul.f32 v2, v1;
	_ =	sdelay $0x1  }
0x1ab: {  	v2 =	vld [tilespmem:$0x110];
	[tilespmem:$0x2E80] =	vst v1  }
0x1ac: {  	v1 =	vld.idx.msk [tilespmem:v4+s20+$0x0], $0xffff  }
0x1ad: {  	v58 =	vld [tilespmem:$0x20]  }
0x1ae: {  	v3 =	vld.idx.msk [tilespmem:v5+s20+$0x0], $0xffff;
	_ =	sdelay $0x1  }
0x1af: {  	v59 =	vld [tilespmem:$0xA0]  }
0x1b0: {  	v1 =	vmul.f32 v1, v2;
	_ =	sdelay $0x1  }
0x1b1: {  	v1 =	vmul.f32 v3, v1;
	_ =	sdelay $0x1  }
0x1b2: {  	v2 =	vld [tilespmem:$0x120];
	[tilespmem:$0x2E90] =	vst v1  }
0x1b3: {  	v1 =	vld.idx.msk [tilespmem:v58+s20+$0x0], $0xffff  }
0x1b4: {  	v60 =	vld [tilespmem:$0x30]  }
0x1b5: {  	v3 =	vld.idx.msk [tilespmem:v59+s20+$0x0], $0xffff;
	_ =	sdelay $0x1  }
0x1b6: {  	v61 =	vld [tilespmem:$0xB0]  }
0x1b7: {  	v1 =	vmul.f32 v1, v2;
	_ =	sdelay $0x1  }
0x1b8: {  	v1 =	vmul.f32 v3, v1;
	_ =	sdelay $0x1  }
0x1b9: {  	[tilespmem:$0x2EA0] =	vst v1;
	v1 =	vld [tilespmem:$0x130]  }
0x1ba: {  	v2 =	vld.idx.msk [tilespmem:v60+s20+$0x0], $0xffff  }
0x1bb: {  	v62 =	vld [tilespmem:$0x40]  }
0x1bc: {  	v3 =	vld.idx.msk [tilespmem:v61+s20+$0x0], $0xffff;
	_ =	sdelay $0x1  }
0x1bd: {  	v63 =	vld [tilespmem:$0xC0]  }
0x1be: {  	v1 =	vmul.f32 v2, v1;
	_ =	sdelay $0x1  }
0x1bf: {  	v1 =	vmul.f32 v3, v1;
	_ =	sdelay $0x1  }
0x1c0: {  	[tilespmem:$0x2EB0] =	vst v1;
	v1 =	vld [tilespmem:$0x140]  }
0x1c1: {  	v2 =	vld.idx.msk [tilespmem:v62+s20+$0x0], $0xffff;
	_ =	sdelay $0x1  }
0x1c2: {  	v3 =	vld.idx.msk [tilespmem:v63+s20+$0x0], $0xffff;
	_ =	sdelay $0x2  }
0x1c3: {  	v1 =	vmul.f32 v2, v1;
	_ =	sdelay $0x1  }
0x1c4: {  	s22 =	sadd.s32 $0x1, s22;
	v1 =	vmul.f32 v3, v1  }
0x1c5: {  	p1 =	sne.s32 s22, s8  }
.Ltmp3:
0x1c6: {  	s31 =	sadd.s32 s23, s11;
	[tilespmem:$0x2EC0] =	vst v1;
	(pc) =	sbr.rel @p1 .LBB2_1-.Ltmp3, $4  }
0x1c7: {  	[hbm4b:s31+s4] =	stream.linear.scatter [tilespmem:s21], [sflag:$0x1], $0x50, $0x38;
	[tilespmem:$0x3400] =	vst v63  }
0x1c8: {  	_ =	swait.ge [sflag:s16], $0x50  }
0x1c9: {  	[sflag:s16] =	ssyncset.done $0x0  }
0x1ca: {  	[sflag:s16] =	ssyncadd.s32 $0xFFFFFFB0  }
0x1cb: {  	_ =	sfence.sel $0x180000  }
0x1cc: {  	[bflag:$0x0] =	sbarrier.arrive $0xFFFF  }
0x1cd: {  	p0 =	sne.s32 s1, $0x0;
	_ =	strace $0x90000047  }
0x1ce: {  	s0 =	sadd.s32 @!p0 $0x100000, s0;
	[bflag:$0x2] =	sbarrier.arrive $0xFFFF  }
0x1cf: {  	[sflag:s0] =	ssyncadd.tile.s32 @!p0 $0x1;
	_ =	shalt  }
.Lfunc_end2:
_tile_overlayer_lowered:
.L_overlay_start_2:
0x1d0: {  	(tag) =	ssettag $0x2  }
0x1d1: {  	s0 =	rddreg [dreg:$0x0];
	s2 =	stileid.u32  }
0x1d2: {  	s1 =	rddreg [dreg:$0x1];
	p0 =	sne.s32 s2, $0x0  }
0x1d3: {  	s3 =	rddreg [dreg:$0x2];
	[bflag:$0x3] =	sbarrier.arrive $0xFFFF;
	s2 =	simm.s32 @!p0 $0x1C01  }
0x1d4: {  	[timem:s3], [sflag:s2] =	dma.local @!p0 [hbm:s0], s1  }
0x1d5: {  	s0 =	simm.s32 @!p0 $0x1  }
0x1d6: {  	_ =	swait.ge @!p0 [sflag:s0], s1  }
0x1d7: {  	s1 =	ssub.s32 @!p0 $0x0, s1;
	[sflag:s0] =	ssyncset.done @!p0 $0x0  }
0x1d8: {  	[sflag:s0] =	ssyncadd.s32 @!p0 s1  }
0x1d9: {  	[bflag:$0x3] =	sbarrier.arrive $0xFFFF  }
0x1da: {  	_ =	shalt  }

</sc_bundles>
